<compile_context>
chip_gen: v7x
topology: tpu7x:2x2x1
jax: 0.10.2.dev20260603
libtpu: 0.0.44.dev20260713+nightly
codegen_flags: <defaults>
</compile_context>

<pallas_src>
import functools

import jax
import jax.numpy as jnp
from jax import lax
from jax.experimental import pallas as pl
from jax.experimental.pallas import tpu as pltpu
from jax.experimental.pallas import tpu_sc as plsc

N = 10000
D = 128
H = 64
E = 320000

NC = 2
NS = 16
NW = NC * NS

C = 128
NPAD = 10240
EPW = 10240
E_PAD = NW * EPW
NCHUNK = EPW // C
ROWS_PT = NPAD // NS

def _deg_body(dst_hbm, zeros1_hbm, out_hbm, idx_dst, ones_v, deg_sh):
    c = lax.axis_index("c")
    s = lax.axis_index("s")
    w = c * NS + s
    for i in range(C // 16):
        ones_v[pl.ds(i * 16, 16)] = jnp.ones((16,), jnp.float32)
    pltpu.sync_copy(dst_hbm.at[w], idx_dst)
    pltpu.sync_copy(
        zeros1_hbm.at[pl.ds(s * ROWS_PT, ROWS_PT)],
        deg_sh.at[pl.ds(s * ROWS_PT, ROWS_PT)],
    )
    plsc.subcore_barrier()

    def body(i, carry):
        pltpu.sync_copy(ones_v, deg_sh.at[idx_dst.at[i]], add=True)
        return carry

    lax.fori_loop(0, NCHUNK, body, 0)
    plsc.subcore_barrier()
    pltpu.sync_copy(
        deg_sh.at[pl.ds(s * ROWS_PT, ROWS_PT)],
        out_hbm.at[pl.ds(c * NPAD + s * ROWS_PT, ROWS_PT)],
    )


NB = 8


def _agg_body(src_hbm, dst_hbm, g_hbm, zerosh_hbm, out_hbm,
              idx_src, idx_dst, rows, acc_sh, gsems, ssems):
    c = lax.axis_index("c")
    s = lax.axis_index("s")
    w = c * NS + s
    pltpu.sync_copy(src_hbm.at[w], idx_src)
    pltpu.sync_copy(dst_hbm.at[w], idx_dst)
    pltpu.sync_copy(
        zerosh_hbm.at[pl.ds(s * ROWS_PT, ROWS_PT)],
        acc_sh.at[pl.ds(s * ROWS_PT, ROWS_PT)],
    )
    plsc.subcore_barrier()

    for b in range(NB):
        pltpu.async_copy(g_hbm.at[idx_src.at[b]], rows.at[b], gsems.at[b])

    def body(j, carry):
        base = j * NB
        for b in range(NB):
            pltpu.make_async_copy(
                g_hbm.at[idx_src.at[base + b]], rows.at[b], gsems.at[b]
            ).wait()
            pltpu.async_copy(
                rows.at[b], acc_sh.at[idx_dst.at[base + b]], ssems.at[b], add=True
            )
        for b in range(NB):
            pltpu.make_async_copy(
                rows.at[b], acc_sh.at[idx_dst.at[base + b]], ssems.at[b]
            ).wait()
            nxt = base + NB + b

            @pl.when(nxt < NCHUNK)
            def _():
                pltpu.async_copy(
                    g_hbm.at[idx_src.at[nxt]], rows.at[b], gsems.at[b]
                )

        return carry

    lax.fori_loop(0, NCHUNK // NB, body, 0)
    plsc.subcore_barrier()
    pltpu.sync_copy(
        acc_sh.at[pl.ds(s * ROWS_PT, ROWS_PT)],
        out_hbm.at[pl.ds(c * NPAD + s * ROWS_PT, ROWS_PT)],
    )


def _matmul_body(x_ref, w_ref, h_ref):
    h_ref[...] = jnp.dot(
        x_ref[...], w_ref[...], preferred_element_type=jnp.float32
    )


def _scale_body(degp_ref, h_ref, g_ref, dis_ref):
    deg = degp_ref[0, :N, :] + degp_ref[1, :N, :] + 1.0
    dis = lax.rsqrt(deg)
    dis_ref[...] = dis
    g_ref[...] = h_ref[...] * dis


def _final_body(accp_ref, g_ref, dis_ref, b_ref, w2_ref, b2_ref, out_ref):
    acc = accp_ref[0, :N, :] + accp_ref[1, :N, :] + g_ref[...]
    t = jnp.maximum(acc * dis_ref[...] + b_ref[...], 0.0)
    val = jnp.sum(t * w2_ref[...], keepdims=True) * (1.0 / N) + b2_ref[...]
    out_ref[...] = val


@functools.cache
def _sc_kernels():
    mesh = plsc.VectorSubcoreMesh(
        core_axis_name="c", subcore_axis_name="s", num_cores=NC, num_subcores=NS
    )
    deg_kernel = pl.kernel(
        _deg_body,
        out_type=jax.ShapeDtypeStruct((NC * NPAD,), jnp.float32),
        mesh=mesh,
        scratch_types=[
            pltpu.VMEM((NCHUNK, C), jnp.int32),
            pltpu.VMEM((C,), jnp.float32),
            pltpu.VMEM_SHARED((NPAD,), jnp.float32),
        ],
    )
    agg_kernel = pl.kernel(
        _agg_body,
        out_type=jax.ShapeDtypeStruct((NC * NPAD, H), jnp.float32),
        mesh=mesh,
        compiler_params=pltpu.CompilerParams(use_tc_tiling_on_sc=False),
        scratch_types=[
            pltpu.VMEM((NCHUNK, C), jnp.int32),
            pltpu.VMEM((NCHUNK, C), jnp.int32),
            pltpu.VMEM((NB, C, H), jnp.float32),
            pltpu.VMEM_SHARED((NPAD, H), jnp.float32),
            pltpu.SemaphoreType.DMA((NB,)),
            pltpu.SemaphoreType.DMA((NB,)),
        ],
    )
    return deg_kernel, agg_kernel


def kernel(x, edge_index, W, b, W2, b2):
    src = edge_index[0].astype(jnp.int32)
    dst = edge_index[1].astype(jnp.int32)
    npad_e = E_PAD - E
    ar = jnp.arange(npad_e, dtype=jnp.int32)
    src_p = jnp.concatenate([src, ar % N]).reshape(NW, NCHUNK, C)
    dst_p = jnp.concatenate([dst, N + (ar % (NPAD - N))]).reshape(NW, NCHUNK, C)

    zeros1 = jnp.zeros((NPAD,), jnp.float32)
    zerosh = jnp.zeros((NPAD, H), jnp.float32)

    deg_kernel, agg_kernel = _sc_kernels()
    degp = deg_kernel(dst_p, zeros1)
    degp3 = degp.reshape(NC, NPAD, 1)

    h = pl.pallas_call(
        _matmul_body,
        out_shape=jax.ShapeDtypeStruct((N, H), jnp.float32),
    )(x, W)

    g, dis = pl.pallas_call(
        _scale_body,
        out_shape=[
            jax.ShapeDtypeStruct((N, H), jnp.float32),
            jax.ShapeDtypeStruct((N, 1), jnp.float32),
        ],
    )(degp3, h)

    accp = agg_kernel(src_p, dst_p, g, zerosh)
    accp3 = accp.reshape(NC, NPAD, H)

    pooled = pl.pallas_call(
        _final_body,
        out_shape=jax.ShapeDtypeStruct((1, 1), jnp.float32),
    )(accp3, g, dis, b.reshape(1, H), W2.reshape(1, H), b2.reshape(1, 1))
    return pooled

# --- scband reference (transcript-rebuilt; emitter-appended) ---
"""Pipeline reference for scband-gnn-17918603558958 (READ-ONLY COPY).

The authoritative reference and input builder live on the scoring server;
editing this copy changes nothing except your own understanding.
"""

import jax, jax.numpy as jnp
import numpy as np

N_NODES = 10000
D_FEAT = 128
HIDDEN = 64
N_EDGES = 320000


def setup_inputs(seed: int = 0) -> dict:
    key = jax.random.key(seed)
    k1, k2, k3, k4, k5, k6 = jax.random.split(key, 6)
    x = jax.random.normal(k1, (N_NODES, D_FEAT), dtype=jnp.float32)
    edge_index = jax.random.randint(k2, (2, N_EDGES), 0, N_NODES, dtype=jnp.int64)
    # GCNConv weights (glorot-like init) and bias
    W = jax.random.normal(k3, (D_FEAT, HIDDEN), dtype=jnp.float32) * (1.0 / np.sqrt(D_FEAT))
    b = jnp.zeros((HIDDEN,), dtype=jnp.float32)
    # final linear layer
    W2 = jax.random.normal(k4, (HIDDEN, 1), dtype=jnp.float32) * (1.0 / np.sqrt(HIDDEN))
    b2 = jnp.zeros((1,), dtype=jnp.float32)
    return {"x": x, "edge_index": edge_index, "W": W, "b": b, "W2": W2, "b2": b2}


def reference(x, edge_index, W, b, W2, b2):
    N = x.shape[0]
    src = edge_index[0]
    dst = edge_index[1]
    # GCNConv: add self-loops
    loop = jnp.arange(N, dtype=src.dtype)
    src = jnp.concatenate([src, loop])
    dst = jnp.concatenate([dst, loop])
    # symmetric normalization: deg^{-1/2}[src] * deg^{-1/2}[dst]
    deg = jnp.zeros((N,), dtype=jnp.float32).at[dst].add(1.0)
    deg_inv_sqrt = jnp.where(deg > 0, 1.0 / jnp.sqrt(deg), 0.0)
    norm = deg_inv_sqrt[src] * deg_inv_sqrt[dst]
    # linear transform then propagate (gather -> weight -> scatter-add)
    h = x @ W
    msg = h[src] * norm[:, None]
    out = jnp.zeros((N, h.shape[1]), dtype=h.dtype).at[dst].add(msg)
    out = out + b
    # ReLU
    out = jax.nn.relu(out)
    # final linear layer -> node-level predictions
    node_preds = out @ W2 + b2
    # global_mean_pool with batch = all zeros -> single graph mean
    pooled = jnp.mean(node_preds, axis=0, keepdims=True)
    return pooled

if __name__ == "__main__":
    import jax
    _d = setup_inputs()
    print(jax.jit(kernel)(*tuple(_d.values())))

</pallas_src>

<mosaic_0001>
#map = affine_map<(d0, d1) -> (0, 0, 0)>
#map1 = affine_map<(d0, d1) -> (0)>
module attributes {stable_mosaic.version = 14 : i64} {
  func.func @_deg_body(%arg0: i32, %arg1: i32, %arg2: memref<32x80x128xi32, #tpu.memory_space<hbm>>, %arg3: memref<10240xf32, #tpu.memory_space<hbm>>, %arg4: memref<20480xf32, #tpu.memory_space<hbm>>, %arg5: memref<80x128xi32, #tpu.memory_space<vmem>>, %arg6: memref<128xf32, #tpu.memory_space<vmem>>, %arg7: memref<10240xf32, #tpu.memory_space<vmem_shared>>) attributes {dimension_semantics = [#tpu.dimension_semantics<core_parallel>, #tpu.dimension_semantics<subcore_parallel>], iteration_bounds = array<i64: 2, 16>, scalar_prefetch = 0 : i64, scratch_operands = 3 : i64, tpu.core_type = #tpu.core_type<sc_vector_subcore>, window_params = [{transform_indices = #map}, {transform_indices = #map1}, {transform_indices = #map1}]} {
    %mul3A = arith.constant 16 : i32
    %mul3A_0 = arith.muli %arg0, %mul3A : i32
    %add3A = arith.addi %mul3A_0, %arg1 : i32
    %broadcast_in_dim3A = arith.constant 1.000000e+00 : f32
    %broadcast_in_dim3A_1 = vector.broadcast %broadcast_in_dim3A : f32 to vector<16xf32>
    %swap3A = arith.constant 0 : index
    %swap3A_2 = tpu.vector_load %arg6[%swap3A] {strides = array<i32>} : memref<128xf32, #tpu.memory_space<vmem>>, vector<16xf32>,
    %swap3A_3 = vector.shape_cast %swap3A_2 : vector<16xf32> to vector<16xf32>
    %swap3A_4 = vector.shape_cast %broadcast_in_dim3A_1 : vector<16xf32> to vector<16xf32>
    tpu.vector_store %arg6[%swap3A], %swap3A_4 {strides = array<i32>} : memref<128xf32, #tpu.memory_space<vmem>>, vector<16xf32>,
    %broadcast_in_dim3A_5 = arith.constant 1.000000e+00 : f32
    %broadcast_in_dim3A_6 = vector.broadcast %broadcast_in_dim3A_5 : f32 to vector<16xf32>
    %swap3A_7 = arith.constant 16 : index
    %swap3A_8 = tpu.vector_load %arg6[%swap3A_7] {strides = array<i32>} : memref<128xf32, #tpu.memory_space<vmem>>, vector<16xf32>,
    %swap3A_9 = vector.shape_cast %swap3A_8 : vector<16xf32> to vector<16xf32>
    %swap3A_10 = vector.shape_cast %broadcast_in_dim3A_6 : vector<16xf32> to vector<16xf32>
    tpu.vector_store %arg6[%swap3A_7], %swap3A_10 {strides = array<i32>} : memref<128xf32, #tpu.memory_space<vmem>>, vector<16xf32>,
    %broadcast_in_dim3A_11 = arith.constant 1.000000e+00 : f32
    %broadcast_in_dim3A_12 = vector.broadcast %broadcast_in_dim3A_11 : f32 to vector<16xf32>
    %swap3A_13 = arith.constant 32 : index
    %swap3A_14 = tpu.vector_load %arg6[%swap3A_13] {strides = array<i32>} : memref<128xf32, #tpu.memory_space<vmem>>, vector<16xf32>,
    %swap3A_15 = vector.shape_cast %swap3A_14 : vector<16xf32> to vector<16xf32>
    %swap3A_16 = vector.shape_cast %broadcast_in_dim3A_12 : vector<16xf32> to vector<16xf32>
    tpu.vector_store %arg6[%swap3A_13], %swap3A_16 {strides = array<i32>} : memref<128xf32, #tpu.memory_space<vmem>>, vector<16xf32>,
    %broadcast_in_dim3A_17 = arith.constant 1.000000e+00 : f32
    %broadcast_in_dim3A_18 = vector.broadcast %broadcast_in_dim3A_17 : f32 to vector<16xf32>
    %swap3A_19 = arith.constant 48 : index
    %swap3A_20 = tpu.vector_load %arg6[%swap3A_19] {strides = array<i32>} : memref<128xf32, #tpu.memory_space<vmem>>, vector<16xf32>,
    %swap3A_21 = vector.shape_cast %swap3A_20 : vector<16xf32> to vector<16xf32>
    %swap3A_22 = vector.shape_cast %broadcast_in_dim3A_18 : vector<16xf32> to vector<16xf32>
    tpu.vector_store %arg6[%swap3A_19], %swap3A_22 {strides = array<i32>} : memref<128xf32, #tpu.memory_space<vmem>>, vector<16xf32>,
    %broadcast_in_dim3A_23 = arith.constant 1.000000e+00 : f32
    %broadcast_in_dim3A_24 = vector.broadcast %broadcast_in_dim3A_23 : f32 to vector<16xf32>
    %swap3A_25 = arith.constant 64 : index
    %swap3A_26 = tpu.vector_load %arg6[%swap3A_25] {strides = array<i32>} : memref<128xf32, #tpu.memory_space<vmem>>, vector<16xf32>,
    %swap3A_27 = vector.shape_cast %swap3A_26 : vector<16xf32> to vector<16xf32>
    %swap3A_28 = vector.shape_cast %broadcast_in_dim3A_24 : vector<16xf32> to vector<16xf32>
    tpu.vector_store %arg6[%swap3A_25], %swap3A_28 {strides = array<i32>} : memref<128xf32, #tpu.memory_space<vmem>>, vector<16xf32>,
    %broadcast_in_dim3A_29 = arith.constant 1.000000e+00 : f32
    %broadcast_in_dim3A_30 = vector.broadcast %broadcast_in_dim3A_29 : f32 to vector<16xf32>
    %swap3A_31 = arith.constant 80 : index
    %swap3A_32 = tpu.vector_load %arg6[%swap3A_31] {strides = array<i32>} : memref<128xf32, #tpu.memory_space<vmem>>, vector<16xf32>,
    %swap3A_33 = vector.shape_cast %swap3A_32 : vector<16xf32> to vector<16xf32>
    %swap3A_34 = vector.shape_cast %broadcast_in_dim3A_30 : vector<16xf32> to vector<16xf32>
    tpu.vector_store %arg6[%swap3A_31], %swap3A_34 {strides = array<i32>} : memref<128xf32, #tpu.memory_space<vmem>>, vector<16xf32>,
    %broadcast_in_dim3A_35 = arith.constant 1.000000e+00 : f32
    %broadcast_in_dim3A_36 = vector.broadcast %broadcast_in_dim3A_35 : f32 to vector<16xf32>
    %swap3A_37 = arith.constant 96 : index
    %swap3A_38 = tpu.vector_load %arg6[%swap3A_37] {strides = array<i32>} : memref<128xf32, #tpu.memory_space<vmem>>, vector<16xf32>,
    %swap3A_39 = vector.shape_cast %swap3A_38 : vector<16xf32> to vector<16xf32>
    %swap3A_40 = vector.shape_cast %broadcast_in_dim3A_36 : vector<16xf32> to vector<16xf32>
    tpu.vector_store %arg6[%swap3A_37], %swap3A_40 {strides = array<i32>} : memref<128xf32, #tpu.memory_space<vmem>>, vector<16xf32>,
    %broadcast_in_dim3A_41 = arith.constant 1.000000e+00 : f32
    %broadcast_in_dim3A_42 = vector.broadcast %broadcast_in_dim3A_41 : f32 to vector<16xf32>
    %swap3A_43 = arith.constant 112 : index
    %swap3A_44 = tpu.vector_load %arg6[%swap3A_43] {strides = array<i32>} : memref<128xf32, #tpu.memory_space<vmem>>, vector<16xf32>,
    %swap3A_45 = vector.shape_cast %swap3A_44 : vector<16xf32> to vector<16xf32>
    %swap3A_46 = vector.shape_cast %broadcast_in_dim3A_42 : vector<16xf32> to vector<16xf32>
    tpu.vector_store %arg6[%swap3A_43], %swap3A_46 {strides = array<i32>} : memref<128xf32, #tpu.memory_space<vmem>>, vector<16xf32>,
    "tpu.region"() ({
      %run_scoped3A = tpu.sem_alloc : memref<!tpu.dma_semaphore, #tpu.memory_space<semaphore_mem>>
      %dma_start3A = arith.constant 0 : i32
      %dma_start3A_64 = arith.constant 0 : i32
      %dma_start3A_65 = tpu.memref_slice %arg2[%add3A, %dma_start3A, %dma_start3A_64] : memref<32x80x128xi32, #tpu.memory_space<hbm>> -> memref<1x80x128xi32, #tpu.memory_space<hbm>>
      %dma_start3A_66 = tpu.memref_squeeze %dma_start3A_65 : memref<1x80x128xi32, #tpu.memory_space<hbm>> -> memref<80x128xi32, #tpu.memory_space<hbm>>
      %dma_start3A_67 = arith.constant 0 : i32
      %dma_start3A_68 = arith.constant 0 : i32
      %dma_start3A_69 = tpu.memref_slice %arg2[%add3A, %dma_start3A_67, %dma_start3A_68] : memref<32x80x128xi32, #tpu.memory_space<hbm>> -> memref<1x80x128xi32, #tpu.memory_space<hbm>>
      %dma_start3A_70 = tpu.memref_squeeze %dma_start3A_69 : memref<1x80x128xi32, #tpu.memory_space<hbm>> -> memref<80x128xi32, #tpu.memory_space<hbm>>
      tpu.enqueue_dma source(%dma_start3A_70 : memref<80x128xi32, #tpu.memory_space<hbm>>) target(%arg5 : memref<80x128xi32, #tpu.memory_space<vmem>>) target_semaphore(%run_scoped3A : memref<!tpu.dma_semaphore, #tpu.memory_space<semaphore_mem>>)
      %dma_wait3A = arith.constant 0 : i32
      %dma_wait3A_71 = arith.constant 0 : i32
      %dma_wait3A_72 = tpu.memref_slice %arg2[%add3A, %dma_wait3A, %dma_wait3A_71] : memref<32x80x128xi32, #tpu.memory_space<hbm>> -> memref<1x80x128xi32, #tpu.memory_space<hbm>>
      %dma_wait3A_73 = tpu.memref_squeeze %dma_wait3A_72 : memref<1x80x128xi32, #tpu.memory_space<hbm>> -> memref<80x128xi32, #tpu.memory_space<hbm>>
      %dma_wait3A_74 = arith.constant 0 : i32
      %dma_wait3A_75 = arith.constant 0 : i32
      %dma_wait3A_76 = tpu.memref_slice %arg2[%add3A, %dma_wait3A_74, %dma_wait3A_75] : memref<32x80x128xi32, #tpu.memory_space<hbm>> -> memref<1x80x128xi32, #tpu.memory_space<hbm>>
      %dma_wait3A_77 = tpu.memref_squeeze %dma_wait3A_76 : memref<1x80x128xi32, #tpu.memory_space<hbm>> -> memref<80x128xi32, #tpu.memory_space<hbm>>
      tpu.wait_dma2 semaphore(%run_scoped3A : memref<!tpu.dma_semaphore, #tpu.memory_space<semaphore_mem>>) src(%dma_wait3A_77 : memref<80x128xi32, #tpu.memory_space<hbm>>) dst(%arg5 : memref<80x128xi32, #tpu.memory_space<vmem>>)
      tpu.yield
    }) : () -> ()
    %mul3A_47 = arith.constant 640 : i32
    %mul3A_48 = arith.muli %arg1, %mul3A_47 : i32
    %mul3A_49 = arith.constant 640 : i32
    %mul3A_50 = arith.muli %arg1, %mul3A_49 : i32
    "tpu.region"() ({
      %run_scoped3A = tpu.sem_alloc : memref<!tpu.dma_semaphore, #tpu.memory_space<semaphore_mem>>
      %dma_start3A = tpu.memref_slice %arg7[%mul3A_50] : memref<10240xf32, #tpu.memory_space<vmem_shared>> -> memref<640xf32, #tpu.memory_space<vmem_shared>>
      %dma_start3A_64 = tpu.memref_slice %arg3[%mul3A_48] : memref<10240xf32, #tpu.memory_space<hbm>> -> memref<640xf32, #tpu.memory_space<hbm>>
      tpu.enqueue_dma source(%dma_start3A_64 : memref<640xf32, #tpu.memory_space<hbm>>) target(%dma_start3A : memref<640xf32, #tpu.memory_space<vmem_shared>>) target_semaphore(%run_scoped3A : memref<!tpu.dma_semaphore, #tpu.memory_space<semaphore_mem>>)
      %dma_wait3A = tpu.memref_slice %arg7[%mul3A_50] : memref<10240xf32, #tpu.memory_space<vmem_shared>> -> memref<640xf32, #tpu.memory_space<vmem_shared>>
      %dma_wait3A_65 = tpu.memref_slice %arg3[%mul3A_48] : memref<10240xf32, #tpu.memory_space<hbm>> -> memref<640xf32, #tpu.memory_space<hbm>>
      tpu.wait_dma2 semaphore(%run_scoped3A : memref<!tpu.dma_semaphore, #tpu.memory_space<semaphore_mem>>) src(%dma_wait3A_65 : memref<640xf32, #tpu.memory_space<hbm>>) dst(%dma_wait3A : memref<640xf32, #tpu.memory_space<vmem_shared>>)
      tpu.yield
    }) : () -> ()
    %barrier3A = arith.constant 0 : index
    tpu.barrier barrier_id(%barrier3A)
    %scan3A = arith.constant 0 : i32
    %scan3A_51 = arith.constant 0 : i32
    %scan3A_52 = arith.constant 80 : i32
    %scan3A_53 = arith.addi %scan3A_51, %scan3A_52 : i32
    %scan3A_54 = arith.constant 1 : i32
    scf.for %scan3A_64 = %scan3A_51 to %scan3A_53 step %scan3A_54  : i32 {
      "tpu.region"() ({
        %run_scoped3A = tpu.sem_alloc : memref<!tpu.dma_semaphore, #tpu.memory_space<semaphore_mem>>
        %dma_start3A = arith.constant 0 : i32
        %dma_start3A_65 = tpu.memref_slice %arg5[%scan3A_64, %dma_start3A] : memref<80x128xi32, #tpu.memory_space<vmem>> -> memref<1x128xi32, #tpu.memory_space<vmem>>
        %dma_start3A_66 = tpu.memref_squeeze %dma_start3A_65 : memref<1x128xi32, #tpu.memory_space<vmem>> -> memref<128xi32, #tpu.memory_space<vmem>>
        %dma_start3A_67 = arith.constant 0 : i32
        %dma_start3A_68 = tpu.memref_slice %arg7[%dma_start3A_67] : memref<10240xf32, #tpu.memory_space<vmem_shared>> -> memref<10240xf32, #tpu.memory_space<vmem_shared>>
        tpu.enqueue_indirect_dma source(%arg6 : memref<128xf32, #tpu.memory_space<vmem>>) target(%dma_start3A_68 : memref<10240xf32, #tpu.memory_space<vmem_shared>>) offsets(%dma_start3A_66 : memref<128xi32, #tpu.memory_space<vmem>>) semaphore(%run_scoped3A : memref<!tpu.dma_semaphore, #tpu.memory_space<semaphore_mem>>) {add = true}
        %dma_wait3A = arith.constant 0 : i32
        %dma_wait3A_69 = tpu.memref_slice %arg5[%scan3A_64, %dma_wait3A] : memref<80x128xi32, #tpu.memory_space<vmem>> -> memref<1x128xi32, #tpu.memory_space<vmem>>
        %dma_wait3A_70 = tpu.memref_squeeze %dma_wait3A_69 : memref<1x128xi32, #tpu.memory_space<vmem>> -> memref<128xi32, #tpu.memory_space<vmem>>
        %dma_wait3A_71 = arith.constant 0 : i32
        %dma_wait3A_72 = tpu.memref_slice %arg7[%dma_wait3A_71] : memref<10240xf32, #tpu.memory_space<vmem_shared>> -> memref<10240xf32, #tpu.memory_space<vmem_shared>>
        tpu.wait_indirect_dma semaphore(%run_scoped3A : memref<!tpu.dma_semaphore, #tpu.memory_space<semaphore_mem>>) src(%arg6 : memref<128xf32, #tpu.memory_space<vmem>>) dst(%dma_wait3A_72 : memref<10240xf32, #tpu.memory_space<vmem_shared>>)
        tpu.yield
      }) : () -> ()
    }
    %scan3A_55 = arith.constant 80 : i32
    %barrier3A_56 = arith.constant 0 : index
    tpu.barrier barrier_id(%barrier3A_56)
    %mul3A_57 = arith.constant 640 : i32
    %mul3A_58 = arith.muli %arg1, %mul3A_57 : i32
    %mul3A_59 = arith.constant 10240 : i32
    %mul3A_60 = arith.muli %arg0, %mul3A_59 : i32
    %mul3A_61 = arith.constant 640 : i32
    %mul3A_62 = arith.muli %arg1, %mul3A_61 : i32
    %add3A_63 = arith.addi %mul3A_60, %mul3A_62 : i32
    "tpu.region"() ({
      %run_scoped3A = tpu.sem_alloc : memref<!tpu.dma_semaphore, #tpu.memory_space<semaphore_mem>>
      %dma_start3A = tpu.memref_slice %arg4[%add3A_63] : memref<20480xf32, #tpu.memory_space<hbm>> -> memref<640xf32, #tpu.memory_space<hbm>>
      %dma_start3A_64 = tpu.memref_slice %arg7[%mul3A_58] : memref<10240xf32, #tpu.memory_space<vmem_shared>> -> memref<640xf32, #tpu.memory_space<vmem_shared>>
      tpu.enqueue_dma source(%dma_start3A_64 : memref<640xf32, #tpu.memory_space<vmem_shared>>) target(%dma_start3A : memref<640xf32, #tpu.memory_space<hbm>>) target_semaphore(%run_scoped3A : memref<!tpu.dma_semaphore, #tpu.memory_space<semaphore_mem>>)
      %dma_wait3A = tpu.memref_slice %arg4[%add3A_63] : memref<20480xf32, #tpu.memory_space<hbm>> -> memref<640xf32, #tpu.memory_space<hbm>>
      %dma_wait3A_65 = tpu.memref_slice %arg7[%mul3A_58] : memref<10240xf32, #tpu.memory_space<vmem_shared>> -> memref<640xf32, #tpu.memory_space<vmem_shared>>
      tpu.wait_dma2 semaphore(%run_scoped3A : memref<!tpu.dma_semaphore, #tpu.memory_space<semaphore_mem>>) src(%dma_wait3A_65 : memref<640xf32, #tpu.memory_space<vmem_shared>>) dst(%dma_wait3A : memref<640xf32, #tpu.memory_space<hbm>>)
      tpu.yield
    }) : () -> ()
    return
  }
}

#map = affine_map<(d0, d1) -> (0, 0, 0)>
#map1 = affine_map<(d0, d1) -> (0, 0)>
module attributes {stable_mosaic.version = 14 : i64} {
  func.func @_agg_body(%arg0: i32, %arg1: i32, %arg2: memref<32x80x128xi32, #tpu.memory_space<hbm>>, %arg3: memref<32x80x128xi32, #tpu.memory_space<hbm>>, %arg4: memref<10000x64xf32, #tpu.memory_space<hbm>>, %arg5: memref<10240x64xf32, #tpu.memory_space<hbm>>, %arg6: memref<20480x64xf32, #tpu.memory_space<hbm>>, %arg7: memref<80x128xi32, #tpu.memory_space<vmem>>, %arg8: memref<80x128xi32, #tpu.memory_space<vmem>>, %arg9: memref<8x128x64xf32, #tpu.memory_space<vmem>>, %arg10: memref<10240x64xf32, #tpu.memory_space<vmem_shared>>, %arg11: memref<8x!tpu.dma_semaphore, #tpu.memory_space<semaphore_mem>>, %arg12: memref<8x!tpu.dma_semaphore, #tpu.memory_space<semaphore_mem>>) attributes {dimension_semantics = [#tpu.dimension_semantics<core_parallel>, #tpu.dimension_semantics<subcore_parallel>], iteration_bounds = array<i64: 2, 16>, scalar_prefetch = 0 : i64, scratch_operands = 6 : i64, tpu.core_type = #tpu.core_type<sc_vector_subcore>, window_params = [{transform_indices = #map}, {transform_indices = #map}, {transform_indices = #map1}, {transform_indices = #map1}, {transform_indices = #map1}]} {
    %mul3A = arith.constant 16 : i32
    %mul3A_0 = arith.muli %arg0, %mul3A : i32
    %add3A = arith.addi %mul3A_0, %arg1 : i32
    "tpu.region"() ({
      %run_scoped3A = tpu.sem_alloc : memref<!tpu.dma_semaphore, #tpu.memory_space<semaphore_mem>>
      %dma_start3A_137 = arith.constant 0 : i32
      %dma_start3A_138 = arith.constant 0 : i32
      %dma_start3A_139 = tpu.memref_slice %arg2[%add3A, %dma_start3A_137, %dma_start3A_138] : memref<32x80x128xi32, #tpu.memory_space<hbm>> -> memref<1x80x128xi32, #tpu.memory_space<hbm>>
      %dma_start3A_140 = tpu.memref_squeeze %dma_start3A_139 : memref<1x80x128xi32, #tpu.memory_space<hbm>> -> memref<80x128xi32, #tpu.memory_space<hbm>>
      %dma_start3A_141 = arith.constant 0 : i32
      %dma_start3A_142 = arith.constant 0 : i32
      %dma_start3A_143 = tpu.memref_slice %arg2[%add3A, %dma_start3A_141, %dma_start3A_142] : memref<32x80x128xi32, #tpu.memory_space<hbm>> -> memref<1x80x128xi32, #tpu.memory_space<hbm>>
      %dma_start3A_144 = tpu.memref_squeeze %dma_start3A_143 : memref<1x80x128xi32, #tpu.memory_space<hbm>> -> memref<80x128xi32, #tpu.memory_space<hbm>>
      tpu.enqueue_dma source(%dma_start3A_144 : memref<80x128xi32, #tpu.memory_space<hbm>>) target(%arg7 : memref<80x128xi32, #tpu.memory_space<vmem>>) target_semaphore(%run_scoped3A : memref<!tpu.dma_semaphore, #tpu.memory_space<semaphore_mem>>)
      %dma_wait3A = arith.constant 0 : i32
      %dma_wait3A_145 = arith.constant 0 : i32
      %dma_wait3A_146 = tpu.memref_slice %arg2[%add3A, %dma_wait3A, %dma_wait3A_145] : memref<32x80x128xi32, #tpu.memory_space<hbm>> -> memref<1x80x128xi32, #tpu.memory_space<hbm>>
      %dma_wait3A_147 = tpu.memref_squeeze %dma_wait3A_146 : memref<1x80x128xi32, #tpu.memory_space<hbm>> -> memref<80x128xi32, #tpu.memory_space<hbm>>
      %dma_wait3A_148 = arith.constant 0 : i32
      %dma_wait3A_149 = arith.constant 0 : i32
      %dma_wait3A_150 = tpu.memref_slice %arg2[%add3A, %dma_wait3A_148, %dma_wait3A_149] : memref<32x80x128xi32, #tpu.memory_space<hbm>> -> memref<1x80x128xi32, #tpu.memory_space<hbm>>
      %dma_wait3A_151 = tpu.memref_squeeze %dma_wait3A_150 : memref<1x80x128xi32, #tpu.memory_space<hbm>> -> memref<80x128xi32, #tpu.memory_space<hbm>>
      tpu.wait_dma2 semaphore(%run_scoped3A : memref<!tpu.dma_semaphore, #tpu.memory_space<semaphore_mem>>) src(%dma_wait3A_151 : memref<80x128xi32, #tpu.memory_space<hbm>>) dst(%arg7 : memref<80x128xi32, #tpu.memory_space<vmem>>)
      tpu.yield
    }) : () -> ()
    "tpu.region"() ({
      %run_scoped3A = tpu.sem_alloc : memref<!tpu.dma_semaphore, #tpu.memory_space<semaphore_mem>>
      %dma_start3A_137 = arith.constant 0 : i32
      %dma_start3A_138 = arith.constant 0 : i32
      %dma_start3A_139 = tpu.memref_slice %arg3[%add3A, %dma_start3A_137, %dma_start3A_138] : memref<32x80x128xi32, #tpu.memory_space<hbm>> -> memref<1x80x128xi32, #tpu.memory_space<hbm>>
      %dma_start3A_140 = tpu.memref_squeeze %dma_start3A_139 : memref<1x80x128xi32, #tpu.memory_space<hbm>> -> memref<80x128xi32, #tpu.memory_space<hbm>>
      %dma_start3A_141 = arith.constant 0 : i32
      %dma_start3A_142 = arith.constant 0 : i32
      %dma_start3A_143 = tpu.memref_slice %arg3[%add3A, %dma_start3A_141, %dma_start3A_142] : memref<32x80x128xi32, #tpu.memory_space<hbm>> -> memref<1x80x128xi32, #tpu.memory_space<hbm>>
      %dma_start3A_144 = tpu.memref_squeeze %dma_start3A_143 : memref<1x80x128xi32, #tpu.memory_space<hbm>> -> memref<80x128xi32, #tpu.memory_space<hbm>>
      tpu.enqueue_dma source(%dma_start3A_144 : memref<80x128xi32, #tpu.memory_space<hbm>>) target(%arg8 : memref<80x128xi32, #tpu.memory_space<vmem>>) target_semaphore(%run_scoped3A : memref<!tpu.dma_semaphore, #tpu.memory_space<semaphore_mem>>)
      %dma_wait3A = arith.constant 0 : i32
      %dma_wait3A_145 = arith.constant 0 : i32
      %dma_wait3A_146 = tpu.memref_slice %arg3[%add3A, %dma_wait3A, %dma_wait3A_145] : memref<32x80x128xi32, #tpu.memory_space<hbm>> -> memref<1x80x128xi32, #tpu.memory_space<hbm>>
      %dma_wait3A_147 = tpu.memref_squeeze %dma_wait3A_146 : memref<1x80x128xi32, #tpu.memory_space<hbm>> -> memref<80x128xi32, #tpu.memory_space<hbm>>
      %dma_wait3A_148 = arith.constant 0 : i32
      %dma_wait3A_149 = arith.constant 0 : i32
      %dma_wait3A_150 = tpu.memref_slice %arg3[%add3A, %dma_wait3A_148, %dma_wait3A_149] : memref<32x80x128xi32, #tpu.memory_space<hbm>> -> memref<1x80x128xi32, #tpu.memory_space<hbm>>
      %dma_wait3A_151 = tpu.memref_squeeze %dma_wait3A_150 : memref<1x80x128xi32, #tpu.memory_space<hbm>> -> memref<80x128xi32, #tpu.memory_space<hbm>>
      tpu.wait_dma2 semaphore(%run_scoped3A : memref<!tpu.dma_semaphore, #tpu.memory_space<semaphore_mem>>) src(%dma_wait3A_151 : memref<80x128xi32, #tpu.memory_space<hbm>>) dst(%arg8 : memref<80x128xi32, #tpu.memory_space<vmem>>)
      tpu.yield
    }) : () -> ()
    %mul3A_1 = arith.constant 640 : i32
    %mul3A_2 = arith.muli %arg1, %mul3A_1 : i32
    %mul3A_3 = arith.constant 640 : i32
    %mul3A_4 = arith.muli %arg1, %mul3A_3 : i32
    "tpu.region"() ({
      %run_scoped3A = tpu.sem_alloc : memref<!tpu.dma_semaphore, #tpu.memory_space<semaphore_mem>>
      %dma_start3A_137 = arith.constant 0 : i32
      %dma_start3A_138 = tpu.memref_slice %arg10[%mul3A_4, %dma_start3A_137] : memref<10240x64xf32, #tpu.memory_space<vmem_shared>> -> memref<640x64xf32, #tpu.memory_space<vmem_shared>>
      %dma_start3A_139 = arith.constant 0 : i32
      %dma_start3A_140 = tpu.memref_slice %arg5[%mul3A_2, %dma_start3A_139] : memref<10240x64xf32, #tpu.memory_space<hbm>> -> memref<640x64xf32, #tpu.memory_space<hbm>>
      tpu.enqueue_dma source(%dma_start3A_140 : memref<640x64xf32, #tpu.memory_space<hbm>>) target(%dma_start3A_138 : memref<640x64xf32, #tpu.memory_space<vmem_shared>>) target_semaphore(%run_scoped3A : memref<!tpu.dma_semaphore, #tpu.memory_space<semaphore_mem>>)
      %dma_wait3A = arith.constant 0 : i32
      %dma_wait3A_141 = tpu.memref_slice %arg10[%mul3A_4, %dma_wait3A] : memref<10240x64xf32, #tpu.memory_space<vmem_shared>> -> memref<640x64xf32, #tpu.memory_space<vmem_shared>>
      %dma_wait3A_142 = arith.constant 0 : i32
      %dma_wait3A_143 = tpu.memref_slice %arg5[%mul3A_2, %dma_wait3A_142] : memref<10240x64xf32, #tpu.memory_space<hbm>> -> memref<640x64xf32, #tpu.memory_space<hbm>>
      tpu.wait_dma2 semaphore(%run_scoped3A : memref<!tpu.dma_semaphore, #tpu.memory_space<semaphore_mem>>) src(%dma_wait3A_143 : memref<640x64xf32, #tpu.memory_space<hbm>>) dst(%dma_wait3A_141 : memref<640x64xf32, #tpu.memory_space<vmem_shared>>)
      tpu.yield
    }) : () -> ()
    %barrier3A = arith.constant 0 : index
    tpu.barrier barrier_id(%barrier3A)
    %dma_start3A = arith.constant 0 : i32
    %dma_start3A_5 = arith.constant 0 : i32
    %dma_start3A_6 = arith.constant 0 : i32
    %dma_start3A_7 = arith.constant 0 : i32
    %dma_start3A_8 = arith.constant 0 : i32
    %dma_start3A_9 = tpu.memref_slice %arg9[%dma_start3A_5, %dma_start3A_7, %dma_start3A_8] : memref<8x128x64xf32, #tpu.memory_space<vmem>> -> memref<1x128x64xf32, #tpu.memory_space<vmem>>
    %dma_start3A_10 = tpu.memref_squeeze %dma_start3A_9 : memref<1x128x64xf32, #tpu.memory_space<vmem>> -> memref<128x64xf32, #tpu.memory_space<vmem>>
    %dma_start3A_11 = arith.constant 0 : i32
    %dma_start3A_12 = tpu.memref_slice %arg7[%dma_start3A, %dma_start3A_11] : memref<80x128xi32, #tpu.memory_space<vmem>> -> memref<1x128xi32, #tpu.memory_space<vmem>>
    %dma_start3A_13 = tpu.memref_squeeze %dma_start3A_12 : memref<1x128xi32, #tpu.memory_space<vmem>> -> memref<128xi32, #tpu.memory_space<vmem>>
    %dma_start3A_14 = arith.constant 0 : i32
    %dma_start3A_15 = arith.constant 0 : i32
    %dma_start3A_16 = tpu.memref_slice %arg4[%dma_start3A_14, %dma_start3A_15] : memref<10000x64xf32, #tpu.memory_space<hbm>> -> memref<10000x64xf32, #tpu.memory_space<hbm>>
    %dma_start3A_17 = tpu.memref_slice %arg11[%dma_start3A_6] : memref<8x!tpu.dma_semaphore, #tpu.memory_space<semaphore_mem>> -> memref<1x!tpu.dma_semaphore, #tpu.memory_space<semaphore_mem>>
    %dma_start3A_18 = tpu.memref_squeeze %dma_start3A_17 : memref<1x!tpu.dma_semaphore, #tpu.memory_space<semaphore_mem>> -> memref<!tpu.dma_semaphore, #tpu.memory_space<semaphore_mem>>
    tpu.enqueue_indirect_dma source(%dma_start3A_16 : memref<10000x64xf32, #tpu.memory_space<hbm>>) target(%dma_start3A_10 : memref<128x64xf32, #tpu.memory_space<vmem>>) offsets(%dma_start3A_13 : memref<128xi32, #tpu.memory_space<vmem>>) semaphore(%dma_start3A_18 : memref<!tpu.dma_semaphore, #tpu.memory_space<semaphore_mem>>)
    %dma_start3A_19 = arith.constant 1 : i32
    %dma_start3A_20 = arith.constant 1 : i32
    %dma_start3A_21 = arith.constant 1 : i32
    %dma_start3A_22 = arith.constant 0 : i32
    %dma_start3A_23 = arith.constant 0 : i32
    %dma_start3A_24 = tpu.memref_slice %arg9[%dma_start3A_20, %dma_start3A_22, %dma_start3A_23] : memref<8x128x64xf32, #tpu.memory_space<vmem>> -> memref<1x128x64xf32, #tpu.memory_space<vmem>>
    %dma_start3A_25 = tpu.memref_squeeze %dma_start3A_24 : memref<1x128x64xf32, #tpu.memory_space<vmem>> -> memref<128x64xf32, #tpu.memory_space<vmem>>
    %dma_start3A_26 = arith.constant 0 : i32
    %dma_start3A_27 = tpu.memref_slice %arg7[%dma_start3A_19, %dma_start3A_26] : memref<80x128xi32, #tpu.memory_space<vmem>> -> memref<1x128xi32, #tpu.memory_space<vmem>>
    %dma_start3A_28 = tpu.memref_squeeze %dma_start3A_27 : memref<1x128xi32, #tpu.memory_space<vmem>> -> memref<128xi32, #tpu.memory_space<vmem>>
    %dma_start3A_29 = arith.constant 0 : i32
    %dma_start3A_30 = arith.constant 0 : i32
    %dma_start3A_31 = tpu.memref_slice %arg4[%dma_start3A_29, %dma_start3A_30] : memref<10000x64xf32, #tpu.memory_space<hbm>> -> memref<10000x64xf32, #tpu.memory_space<hbm>>
    %dma_start3A_32 = tpu.memref_slice %arg11[%dma_start3A_21] : memref<8x!tpu.dma_semaphore, #tpu.memory_space<semaphore_mem>> -> memref<1x!tpu.dma_semaphore, #tpu.memory_space<semaphore_mem>>
    %dma_start3A_33 = tpu.memref_squeeze %dma_start3A_32 : memref<1x!tpu.dma_semaphore, #tpu.memory_space<semaphore_mem>> -> memref<!tpu.dma_semaphore, #tpu.memory_space<semaphore_mem>>
    tpu.enqueue_indirect_dma source(%dma_start3A_31 : memref<10000x64xf32, #tpu.memory_space<hbm>>) target(%dma_start3A_25 : memref<128x64xf32, #tpu.memory_space<vmem>>) offsets(%dma_start3A_28 : memref<128xi32, #tpu.memory_space<vmem>>) semaphore(%dma_start3A_33 : memref<!tpu.dma_semaphore, #tpu.memory_space<semaphore_mem>>)
    %dma_start3A_34 = arith.constant 2 : i32
    %dma_start3A_35 = arith.constant 2 : i32
    %dma_start3A_36 = arith.constant 2 : i32
    %dma_start3A_37 = arith.constant 0 : i32
    %dma_start3A_38 = arith.constant 0 : i32
    %dma_start3A_39 = tpu.memref_slice %arg9[%dma_start3A_35, %dma_start3A_37, %dma_start3A_38] : memref<8x128x64xf32, #tpu.memory_space<vmem>> -> memref<1x128x64xf32, #tpu.memory_space<vmem>>
    %dma_start3A_40 = tpu.memref_squeeze %dma_start3A_39 : memref<1x128x64xf32, #tpu.memory_space<vmem>> -> memref<128x64xf32, #tpu.memory_space<vmem>>
    %dma_start3A_41 = arith.constant 0 : i32
    %dma_start3A_42 = tpu.memref_slice %arg7[%dma_start3A_34, %dma_start3A_41] : memref<80x128xi32, #tpu.memory_space<vmem>> -> memref<1x128xi32, #tpu.memory_space<vmem>>
    %dma_start3A_43 = tpu.memref_squeeze %dma_start3A_42 : memref<1x128xi32, #tpu.memory_space<vmem>> -> memref<128xi32, #tpu.memory_space<vmem>>
    %dma_start3A_44 = arith.constant 0 : i32
    %dma_start3A_45 = arith.constant 0 : i32
    %dma_start3A_46 = tpu.memref_slice %arg4[%dma_start3A_44, %dma_start3A_45] : memref<10000x64xf32, #tpu.memory_space<hbm>> -> memref<10000x64xf32, #tpu.memory_space<hbm>>
    %dma_start3A_47 = tpu.memref_slice %arg11[%dma_start3A_36] : memref<8x!tpu.dma_semaphore, #tpu.memory_space<semaphore_mem>> -> memref<1x!tpu.dma_semaphore, #tpu.memory_space<semaphore_mem>>
    %dma_start3A_48 = tpu.memref_squeeze %dma_start3A_47 : memref<1x!tpu.dma_semaphore, #tpu.memory_space<semaphore_mem>> -> memref<!tpu.dma_semaphore, #tpu.memory_space<semaphore_mem>>
    tpu.enqueue_indirect_dma source(%dma_start3A_46 : memref<10000x64xf32, #tpu.memory_space<hbm>>) target(%dma_start3A_40 : memref<128x64xf32, #tpu.memory_space<vmem>>) offsets(%dma_start3A_43 : memref<128xi32, #tpu.memory_space<vmem>>) semaphore(%dma_start3A_48 : memref<!tpu.dma_semaphore, #tpu.memory_space<semaphore_mem>>)
    %dma_start3A_49 = arith.constant 3 : i32
    %dma_start3A_50 = arith.constant 3 : i32
    %dma_start3A_51 = arith.constant 3 : i32
    %dma_start3A_52 = arith.constant 0 : i32
    %dma_start3A_53 = arith.constant 0 : i32
    %dma_start3A_54 = tpu.memref_slice %arg9[%dma_start3A_50, %dma_start3A_52, %dma_start3A_53] : memref<8x128x64xf32, #tpu.memory_space<vmem>> -> memref<1x128x64xf32, #tpu.memory_space<vmem>>
    %dma_start3A_55 = tpu.memref_squeeze %dma_start3A_54 : memref<1x128x64xf32, #tpu.memory_space<vmem>> -> memref<128x64xf32, #tpu.memory_space<vmem>>
    %dma_start3A_56 = arith.constant 0 : i32
    %dma_start3A_57 = tpu.memref_slice %arg7[%dma_start3A_49, %dma_start3A_56] : memref<80x128xi32, #tpu.memory_space<vmem>> -> memref<1x128xi32, #tpu.memory_space<vmem>>
    %dma_start3A_58 = tpu.memref_squeeze %dma_start3A_57 : memref<1x128xi32, #tpu.memory_space<vmem>> -> memref<128xi32, #tpu.memory_space<vmem>>
    %dma_start3A_59 = arith.constant 0 : i32
    %dma_start3A_60 = arith.constant 0 : i32
    %dma_start3A_61 = tpu.memref_slice %arg4[%dma_start3A_59, %dma_start3A_60] : memref<10000x64xf32, #tpu.memory_space<hbm>> -> memref<10000x64xf32, #tpu.memory_space<hbm>>
    %dma_start3A_62 = tpu.memref_slice %arg11[%dma_start3A_51] : memref<8x!tpu.dma_semaphore, #tpu.memory_space<semaphore_mem>> -> memref<1x!tpu.dma_semaphore, #tpu.memory_space<semaphore_mem>>
    %dma_start3A_63 = tpu.memref_squeeze %dma_start3A_62 : memref<1x!tpu.dma_semaphore, #tpu.memory_space<semaphore_mem>> -> memref<!tpu.dma_semaphore, #tpu.memory_space<semaphore_mem>>
    tpu.enqueue_indirect_dma source(%dma_start3A_61 : memref<10000x64xf32, #tpu.memory_space<hbm>>) target(%dma_start3A_55 : memref<128x64xf32, #tpu.memory_space<vmem>>) offsets(%dma_start3A_58 : memref<128xi32, #tpu.memory_space<vmem>>) semaphore(%dma_start3A_63 : memref<!tpu.dma_semaphore, #tpu.memory_space<semaphore_mem>>)
    %dma_start3A_64 = arith.constant 4 : i32
    %dma_start3A_65 = arith.constant 4 : i32
    %dma_start3A_66 = arith.constant 4 : i32
    %dma_start3A_67 = arith.constant 0 : i32
    %dma_start3A_68 = arith.constant 0 : i32
    %dma_start3A_69 = tpu.memref_slice %arg9[%dma_start3A_65, %dma_start3A_67, %dma_start3A_68] : memref<8x128x64xf32, #tpu.memory_space<vmem>> -> memref<1x128x64xf32, #tpu.memory_space<vmem>>
    %dma_start3A_70 = tpu.memref_squeeze %dma_start3A_69 : memref<1x128x64xf32, #tpu.memory_space<vmem>> -> memref<128x64xf32, #tpu.memory_space<vmem>>
    %dma_start3A_71 = arith.constant 0 : i32
    %dma_start3A_72 = tpu.memref_slice %arg7[%dma_start3A_64, %dma_start3A_71] : memref<80x128xi32, #tpu.memory_space<vmem>> -> memref<1x128xi32, #tpu.memory_space<vmem>>
    %dma_start3A_73 = tpu.memref_squeeze %dma_start3A_72 : memref<1x128xi32, #tpu.memory_space<vmem>> -> memref<128xi32, #tpu.memory_space<vmem>>
    %dma_start3A_74 = arith.constant 0 : i32
    %dma_start3A_75 = arith.constant 0 : i32
    %dma_start3A_76 = tpu.memref_slice %arg4[%dma_start3A_74, %dma_start3A_75] : memref<10000x64xf32, #tpu.memory_space<hbm>> -> memref<10000x64xf32, #tpu.memory_space<hbm>>
    %dma_start3A_77 = tpu.memref_slice %arg11[%dma_start3A_66] : memref<8x!tpu.dma_semaphore, #tpu.memory_space<semaphore_mem>> -> memref<1x!tpu.dma_semaphore, #tpu.memory_space<semaphore_mem>>
    %dma_start3A_78 = tpu.memref_squeeze %dma_start3A_77 : memref<1x!tpu.dma_semaphore, #tpu.memory_space<semaphore_mem>> -> memref<!tpu.dma_semaphore, #tpu.memory_space<semaphore_mem>>
    tpu.enqueue_indirect_dma source(%dma_start3A_76 : memref<10000x64xf32, #tpu.memory_space<hbm>>) target(%dma_start3A_70 : memref<128x64xf32, #tpu.memory_space<vmem>>) offsets(%dma_start3A_73 : memref<128xi32, #tpu.memory_space<vmem>>) semaphore(%dma_start3A_78 : memref<!tpu.dma_semaphore, #tpu.memory_space<semaphore_mem>>)
    %dma_start3A_79 = arith.constant 5 : i32
    %dma_start3A_80 = arith.constant 5 : i32
    %dma_start3A_81 = arith.constant 5 : i32
    %dma_start3A_82 = arith.constant 0 : i32
    %dma_start3A_83 = arith.constant 0 : i32
    %dma_start3A_84 = tpu.memref_slice %arg9[%dma_start3A_80, %dma_start3A_82, %dma_start3A_83] : memref<8x128x64xf32, #tpu.memory_space<vmem>> -> memref<1x128x64xf32, #tpu.memory_space<vmem>>
    %dma_start3A_85 = tpu.memref_squeeze %dma_start3A_84 : memref<1x128x64xf32, #tpu.memory_space<vmem>> -> memref<128x64xf32, #tpu.memory_space<vmem>>
    %dma_start3A_86 = arith.constant 0 : i32
    %dma_start3A_87 = tpu.memref_slice %arg7[%dma_start3A_79, %dma_start3A_86] : memref<80x128xi32, #tpu.memory_space<vmem>> -> memref<1x128xi32, #tpu.memory_space<vmem>>
    %dma_start3A_88 = tpu.memref_squeeze %dma_start3A_87 : memref<1x128xi32, #tpu.memory_space<vmem>> -> memref<128xi32, #tpu.memory_space<vmem>>
    %dma_start3A_89 = arith.constant 0 : i32
    %dma_start3A_90 = arith.constant 0 : i32
    %dma_start3A_91 = tpu.memref_slice %arg4[%dma_start3A_89, %dma_start3A_90] : memref<10000x64xf32, #tpu.memory_space<hbm>> -> memref<10000x64xf32, #tpu.memory_space<hbm>>
    %dma_start3A_92 = tpu.memref_slice %arg11[%dma_start3A_81] : memref<8x!tpu.dma_semaphore, #tpu.memory_space<semaphore_mem>> -> memref<1x!tpu.dma_semaphore, #tpu.memory_space<semaphore_mem>>
    %dma_start3A_93 = tpu.memref_squeeze %dma_start3A_92 : memref<1x!tpu.dma_semaphore, #tpu.memory_space<semaphore_mem>> -> memref<!tpu.dma_semaphore, #tpu.memory_space<semaphore_mem>>
    tpu.enqueue_indirect_dma source(%dma_start3A_91 : memref<10000x64xf32, #tpu.memory_space<hbm>>) target(%dma_start3A_85 : memref<128x64xf32, #tpu.memory_space<vmem>>) offsets(%dma_start3A_88 : memref<128xi32, #tpu.memory_space<vmem>>) semaphore(%dma_start3A_93 : memref<!tpu.dma_semaphore, #tpu.memory_space<semaphore_mem>>)
    %dma_start3A_94 = arith.constant 6 : i32
    %dma_start3A_95 = arith.constant 6 : i32
    %dma_start3A_96 = arith.constant 6 : i32
    %dma_start3A_97 = arith.constant 0 : i32
    %dma_start3A_98 = arith.constant 0 : i32
    %dma_start3A_99 = tpu.memref_slice %arg9[%dma_start3A_95, %dma_start3A_97, %dma_start3A_98] : memref<8x128x64xf32, #tpu.memory_space<vmem>> -> memref<1x128x64xf32, #tpu.memory_space<vmem>>
    %dma_start3A_100 = tpu.memref_squeeze %dma_start3A_99 : memref<1x128x64xf32, #tpu.memory_space<vmem>> -> memref<128x64xf32, #tpu.memory_space<vmem>>
    %dma_start3A_101 = arith.constant 0 : i32
    %dma_start3A_102 = tpu.memref_slice %arg7[%dma_start3A_94, %dma_start3A_101] : memref<80x128xi32, #tpu.memory_space<vmem>> -> memref<1x128xi32, #tpu.memory_space<vmem>>
    %dma_start3A_103 = tpu.memref_squeeze %dma_start3A_102 : memref<1x128xi32, #tpu.memory_space<vmem>> -> memref<128xi32, #tpu.memory_space<vmem>>
    %dma_start3A_104 = arith.constant 0 : i32
    %dma_start3A_105 = arith.constant 0 : i32
    %dma_start3A_106 = tpu.memref_slice %arg4[%dma_start3A_104, %dma_start3A_105] : memref<10000x64xf32, #tpu.memory_space<hbm>> -> memref<10000x64xf32, #tpu.memory_space<hbm>>
    %dma_start3A_107 = tpu.memref_slice %arg11[%dma_start3A_96] : memref<8x!tpu.dma_semaphore, #tpu.memory_space<semaphore_mem>> -> memref<1x!tpu.dma_semaphore, #tpu.memory_space<semaphore_mem>>
    %dma_start3A_108 = tpu.memref_squeeze %dma_start3A_107 : memref<1x!tpu.dma_semaphore, #tpu.memory_space<semaphore_mem>> -> memref<!tpu.dma_semaphore, #tpu.memory_space<semaphore_mem>>
    tpu.enqueue_indirect_dma source(%dma_start3A_106 : memref<10000x64xf32, #tpu.memory_space<hbm>>) target(%dma_start3A_100 : memref<128x64xf32, #tpu.memory_space<vmem>>) offsets(%dma_start3A_103 : memref<128xi32, #tpu.memory_space<vmem>>) semaphore(%dma_start3A_108 : memref<!tpu.dma_semaphore, #tpu.memory_space<semaphore_mem>>)
    %dma_start3A_109 = arith.constant 7 : i32
    %dma_start3A_110 = arith.constant 7 : i32
    %dma_start3A_111 = arith.constant 7 : i32
    %dma_start3A_112 = arith.constant 0 : i32
    %dma_start3A_113 = arith.constant 0 : i32
    %dma_start3A_114 = tpu.memref_slice %arg9[%dma_start3A_110, %dma_start3A_112, %dma_start3A_113] : memref<8x128x64xf32, #tpu.memory_space<vmem>> -> memref<1x128x64xf32, #tpu.memory_space<vmem>>
    %dma_start3A_115 = tpu.memref_squeeze %dma_start3A_114 : memref<1x128x64xf32, #tpu.memory_space<vmem>> -> memref<128x64xf32, #tpu.memory_space<vmem>>
    %dma_start3A_116 = arith.constant 0 : i32
    %dma_start3A_117 = tpu.memref_slice %arg7[%dma_start3A_109, %dma_start3A_116] : memref<80x128xi32, #tpu.memory_space<vmem>> -> memref<1x128xi32, #tpu.memory_space<vmem>>
    %dma_start3A_118 = tpu.memref_squeeze %dma_start3A_117 : memref<1x128xi32, #tpu.memory_space<vmem>> -> memref<128xi32, #tpu.memory_space<vmem>>
    %dma_start3A_119 = arith.constant 0 : i32
    %dma_start3A_120 = arith.constant 0 : i32
    %dma_start3A_121 = tpu.memref_slice %arg4[%dma_start3A_119, %dma_start3A_120] : memref<10000x64xf32, #tpu.memory_space<hbm>> -> memref<10000x64xf32, #tpu.memory_space<hbm>>
    %dma_start3A_122 = tpu.memref_slice %arg11[%dma_start3A_111] : memref<8x!tpu.dma_semaphore, #tpu.memory_space<semaphore_mem>> -> memref<1x!tpu.dma_semaphore, #tpu.memory_space<semaphore_mem>>
    %dma_start3A_123 = tpu.memref_squeeze %dma_start3A_122 : memref<1x!tpu.dma_semaphore, #tpu.memory_space<semaphore_mem>> -> memref<!tpu.dma_semaphore, #tpu.memory_space<semaphore_mem>>
    tpu.enqueue_indirect_dma source(%dma_start3A_121 : memref<10000x64xf32, #tpu.memory_space<hbm>>) target(%dma_start3A_115 : memref<128x64xf32, #tpu.memory_space<vmem>>) offsets(%dma_start3A_118 : memref<128xi32, #tpu.memory_space<vmem>>) semaphore(%dma_start3A_123 : memref<!tpu.dma_semaphore, #tpu.memory_space<semaphore_mem>>)
    %scan3A = arith.constant 0 : i32
    %scan3A_124 = arith.constant 0 : i32
    %scan3A_125 = arith.constant 10 : i32
    %scan3A_126 = arith.addi %scan3A_124, %scan3A_125 : i32
    %scan3A_127 = arith.constant 1 : i32
    scf.for %scan3A_137 = %scan3A_124 to %scan3A_126 step %scan3A_127  : i32 {
      %mul3A_138 = arith.constant 8 : i32
      %mul3A_139 = arith.muli %scan3A_137, %mul3A_138 : i32
      %add3A_140 = arith.constant 0 : i32
      %add3A_141 = arith.addi %mul3A_139, %add3A_140 : i32
      %dma_wait3A = arith.constant 0 : i32
      %dma_wait3A_142 = arith.constant 0 : i32
      %dma_wait3A_143 = arith.constant 0 : i32
      %dma_wait3A_144 = arith.constant 0 : i32
      %dma_wait3A_145 = tpu.memref_slice %arg9[%dma_wait3A, %dma_wait3A_143, %dma_wait3A_144] : memref<8x128x64xf32, #tpu.memory_space<vmem>> -> memref<1x128x64xf32, #tpu.memory_space<vmem>>
      %dma_wait3A_146 = tpu.memref_squeeze %dma_wait3A_145 : memref<1x128x64xf32, #tpu.memory_space<vmem>> -> memref<128x64xf32, #tpu.memory_space<vmem>>
      %dma_wait3A_147 = arith.constant 0 : i32
      %dma_wait3A_148 = tpu.memref_slice %arg7[%add3A_141, %dma_wait3A_147] : memref<80x128xi32, #tpu.memory_space<vmem>> -> memref<1x128xi32, #tpu.memory_space<vmem>>
      %dma_wait3A_149 = tpu.memref_squeeze %dma_wait3A_148 : memref<1x128xi32, #tpu.memory_space<vmem>> -> memref<128xi32, #tpu.memory_space<vmem>>
      %dma_wait3A_150 = arith.constant 0 : i32
      %dma_wait3A_151 = arith.constant 0 : i32
      %dma_wait3A_152 = tpu.memref_slice %arg4[%dma_wait3A_150, %dma_wait3A_151] : memref<10000x64xf32, #tpu.memory_space<hbm>> -> memref<10000x64xf32, #tpu.memory_space<hbm>>
      %dma_wait3A_153 = tpu.memref_slice %arg11[%dma_wait3A_142] : memref<8x!tpu.dma_semaphore, #tpu.memory_space<semaphore_mem>> -> memref<1x!tpu.dma_semaphore, #tpu.memory_space<semaphore_mem>>
      %dma_wait3A_154 = tpu.memref_squeeze %dma_wait3A_153 : memref<1x!tpu.dma_semaphore, #tpu.memory_space<semaphore_mem>> -> memref<!tpu.dma_semaphore, #tpu.memory_space<semaphore_mem>>
      tpu.wait_indirect_dma semaphore(%dma_wait3A_154 : memref<!tpu.dma_semaphore, #tpu.memory_space<semaphore_mem>>) src(%dma_wait3A_152 : memref<10000x64xf32, #tpu.memory_space<hbm>>) dst(%dma_wait3A_146 : memref<128x64xf32, #tpu.memory_space<vmem>>)
      %add3A_155 = arith.constant 0 : i32
      %add3A_156 = arith.addi %mul3A_139, %add3A_155 : i32
      %dma_start3A_157 = arith.constant 0 : i32
      %dma_start3A_158 = arith.constant 0 : i32
      %dma_start3A_159 = arith.constant 0 : i32
      %dma_start3A_160 = arith.constant 0 : i32
      %dma_start3A_161 = tpu.memref_slice %arg9[%dma_start3A_157, %dma_start3A_159, %dma_start3A_160] : memref<8x128x64xf32, #tpu.memory_space<vmem>> -> memref<1x128x64xf32, #tpu.memory_space<vmem>>
      %dma_start3A_162 = tpu.memref_squeeze %dma_start3A_161 : memref<1x128x64xf32, #tpu.memory_space<vmem>> -> memref<128x64xf32, #tpu.memory_space<vmem>>
      %dma_start3A_163 = arith.constant 0 : i32
      %dma_start3A_164 = tpu.memref_slice %arg8[%add3A_156, %dma_start3A_163] : memref<80x128xi32, #tpu.memory_space<vmem>> -> memref<1x128xi32, #tpu.memory_space<vmem>>
      %dma_start3A_165 = tpu.memref_squeeze %dma_start3A_164 : memref<1x128xi32, #tpu.memory_space<vmem>> -> memref<128xi32, #tpu.memory_space<vmem>>
      %dma_start3A_166 = arith.constant 0 : i32
      %dma_start3A_167 = arith.constant 0 : i32
      %dma_start3A_168 = tpu.memref_slice %arg10[%dma_start3A_166, %dma_start3A_167] : memref<10240x64xf32, #tpu.memory_space<vmem_shared>> -> memref<10240x64xf32, #tpu.memory_space<vmem_shared>>
      %dma_start3A_169 = tpu.memref_slice %arg12[%dma_start3A_158] : memref<8x!tpu.dma_semaphore, #tpu.memory_space<semaphore_mem>> -> memref<1x!tpu.dma_semaphore, #tpu.memory_space<semaphore_mem>>
      %dma_start3A_170 = tpu.memref_squeeze %dma_start3A_169 : memref<1x!tpu.dma_semaphore, #tpu.memory_space<semaphore_mem>> -> memref<!tpu.dma_semaphore, #tpu.memory_space<semaphore_mem>>
      tpu.enqueue_indirect_dma source(%dma_start3A_162 : memref<128x64xf32, #tpu.memory_space<vmem>>) target(%dma_start3A_168 : memref<10240x64xf32, #tpu.memory_space<vmem_shared>>) offsets(%dma_start3A_165 : memref<128xi32, #tpu.memory_space<vmem>>) semaphore(%dma_start3A_170 : memref<!tpu.dma_semaphore, #tpu.memory_space<semaphore_mem>>) {add = true}
      %add3A_171 = arith.constant 1 : i32
      %add3A_172 = arith.addi %mul3A_139, %add3A_171 : i32
      %dma_wait3A_173 = arith.constant 1 : i32
      %dma_wait3A_174 = arith.constant 1 : i32
      %dma_wait3A_175 = arith.constant 0 : i32
      %dma_wait3A_176 = arith.constant 0 : i32
      %dma_wait3A_177 = tpu.memref_slice %arg9[%dma_wait3A_173, %dma_wait3A_175, %dma_wait3A_176] : memref<8x128x64xf32, #tpu.memory_space<vmem>> -> memref<1x128x64xf32, #tpu.memory_space<vmem>>
      %dma_wait3A_178 = tpu.memref_squeeze %dma_wait3A_177 : memref<1x128x64xf32, #tpu.memory_space<vmem>> -> memref<128x64xf32, #tpu.memory_space<vmem>>
      %dma_wait3A_179 = arith.constant 0 : i32
      %dma_wait3A_180 = tpu.memref_slice %arg7[%add3A_172, %dma_wait3A_179] : memref<80x128xi32, #tpu.memory_space<vmem>> -> memref<1x128xi32, #tpu.memory_space<vmem>>
      %dma_wait3A_181 = tpu.memref_squeeze %dma_wait3A_180 : memref<1x128xi32, #tpu.memory_space<vmem>> -> memref<128xi32, #tpu.memory_space<vmem>>
      %dma_wait3A_182 = arith.constant 0 : i32
      %dma_wait3A_183 = arith.constant 0 : i32
      %dma_wait3A_184 = tpu.memref_slice %arg4[%dma_wait3A_182, %dma_wait3A_183] : memref<10000x64xf32, #tpu.memory_space<hbm>> -> memref<10000x64xf32, #tpu.memory_space<hbm>>
      %dma_wait3A_185 = tpu.memref_slice %arg11[%dma_wait3A_174] : memref<8x!tpu.dma_semaphore, #tpu.memory_space<semaphore_mem>> -> memref<1x!tpu.dma_semaphore, #tpu.memory_space<semaphore_mem>>
      %dma_wait3A_186 = tpu.memref_squeeze %dma_wait3A_185 : memref<1x!tpu.dma_semaphore, #tpu.memory_space<semaphore_mem>> -> memref<!tpu.dma_semaphore, #tpu.memory_space<semaphore_mem>>
      tpu.wait_indirect_dma semaphore(%dma_wait3A_186 : memref<!tpu.dma_semaphore, #tpu.memory_space<semaphore_mem>>) src(%dma_wait3A_184 : memref<10000x64xf32, #tpu.memory_space<hbm>>) dst(%dma_wait3A_178 : memref<128x64xf32, #tpu.memory_space<vmem>>)
      %add3A_187 = arith.constant 1 : i32
      %add3A_188 = arith.addi %mul3A_139, %add3A_187 : i32
      %dma_start3A_189 = arith.constant 1 : i32
      %dma_start3A_190 = arith.constant 1 : i32
      %dma_start3A_191 = arith.constant 0 : i32
      %dma_start3A_192 = arith.constant 0 : i32
      %dma_start3A_193 = tpu.memref_slice %arg9[%dma_start3A_189, %dma_start3A_191, %dma_start3A_192] : memref<8x128x64xf32, #tpu.memory_space<vmem>> -> memref<1x128x64xf32, #tpu.memory_space<vmem>>
      %dma_start3A_194 = tpu.memref_squeeze %dma_start3A_193 : memref<1x128x64xf32, #tpu.memory_space<vmem>> -> memref<128x64xf32, #tpu.memory_space<vmem>>
      %dma_start3A_195 = arith.constant 0 : i32
      %dma_start3A_196 = tpu.memref_slice %arg8[%add3A_188, %dma_start3A_195] : memref<80x128xi32, #tpu.memory_space<vmem>> -> memref<1x128xi32, #tpu.memory_space<vmem>>
      %dma_start3A_197 = tpu.memref_squeeze %dma_start3A_196 : memref<1x128xi32, #tpu.memory_space<vmem>> -> memref<128xi32, #tpu.memory_space<vmem>>
      %dma_start3A_198 = arith.constant 0 : i32
      %dma_start3A_199 = arith.constant 0 : i32
      %dma_start3A_200 = tpu.memref_slice %arg10[%dma_start3A_198, %dma_start3A_199] : memref<10240x64xf32, #tpu.memory_space<vmem_shared>> -> memref<10240x64xf32, #tpu.memory_space<vmem_shared>>
      %dma_start3A_201 = tpu.memref_slice %arg12[%dma_start3A_190] : memref<8x!tpu.dma_semaphore, #tpu.memory_space<semaphore_mem>> -> memref<1x!tpu.dma_semaphore, #tpu.memory_space<semaphore_mem>>
      %dma_start3A_202 = tpu.memref_squeeze %dma_start3A_201 : memref<1x!tpu.dma_semaphore, #tpu.memory_space<semaphore_mem>> -> memref<!tpu.dma_semaphore, #tpu.memory_space<semaphore_mem>>
      tpu.enqueue_indirect_dma source(%dma_start3A_194 : memref<128x64xf32, #tpu.memory_space<vmem>>) target(%dma_start3A_200 : memref<10240x64xf32, #tpu.memory_space<vmem_shared>>) offsets(%dma_start3A_197 : memref<128xi32, #tpu.memory_space<vmem>>) semaphore(%dma_start3A_202 : memref<!tpu.dma_semaphore, #tpu.memory_space<semaphore_mem>>) {add = true}
      %add3A_203 = arith.constant 2 : i32
      %add3A_204 = arith.addi %mul3A_139, %add3A_203 : i32
      %dma_wait3A_205 = arith.constant 2 : i32
      %dma_wait3A_206 = arith.constant 2 : i32
      %dma_wait3A_207 = arith.constant 0 : i32
      %dma_wait3A_208 = arith.constant 0 : i32
      %dma_wait3A_209 = tpu.memref_slice %arg9[%dma_wait3A_205, %dma_wait3A_207, %dma_wait3A_208] : memref<8x128x64xf32, #tpu.memory_space<vmem>> -> memref<1x128x64xf32, #tpu.memory_space<vmem>>
      %dma_wait3A_210 = tpu.memref_squeeze %dma_wait3A_209 : memref<1x128x64xf32, #tpu.memory_space<vmem>> -> memref<128x64xf32, #tpu.memory_space<vmem>>
      %dma_wait3A_211 = arith.constant 0 : i32
      %dma_wait3A_212 = tpu.memref_slice %arg7[%add3A_204, %dma_wait3A_211] : memref<80x128xi32, #tpu.memory_space<vmem>> -> memref<1x128xi32, #tpu.memory_space<vmem>>
      %dma_wait3A_213 = tpu.memref_squeeze %dma_wait3A_212 : memref<1x128xi32, #tpu.memory_space<vmem>> -> memref<128xi32, #tpu.memory_space<vmem>>
      %dma_wait3A_214 = arith.constant 0 : i32
      %dma_wait3A_215 = arith.constant 0 : i32
      %dma_wait3A_216 = tpu.memref_slice %arg4[%dma_wait3A_214, %dma_wait3A_215] : memref<10000x64xf32, #tpu.memory_space<hbm>> -> memref<10000x64xf32, #tpu.memory_space<hbm>>
      %dma_wait3A_217 = tpu.memref_slice %arg11[%dma_wait3A_206] : memref<8x!tpu.dma_semaphore, #tpu.memory_space<semaphore_mem>> -> memref<1x!tpu.dma_semaphore, #tpu.memory_space<semaphore_mem>>
      %dma_wait3A_218 = tpu.memref_squeeze %dma_wait3A_217 : memref<1x!tpu.dma_semaphore, #tpu.memory_space<semaphore_mem>> -> memref<!tpu.dma_semaphore, #tpu.memory_space<semaphore_mem>>
      tpu.wait_indirect_dma semaphore(%dma_wait3A_218 : memref<!tpu.dma_semaphore, #tpu.memory_space<semaphore_mem>>) src(%dma_wait3A_216 : memref<10000x64xf32, #tpu.memory_space<hbm>>) dst(%dma_wait3A_210 : memref<128x64xf32, #tpu.memory_space<vmem>>)
      %add3A_219 = arith.constant 2 : i32
      %add3A_220 = arith.addi %mul3A_139, %add3A_219 : i32
      %dma_start3A_221 = arith.constant 2 : i32
      %dma_start3A_222 = arith.constant 2 : i32
      %dma_start3A_223 = arith.constant 0 : i32
      %dma_start3A_224 = arith.constant 0 : i32
      %dma_start3A_225 = tpu.memref_slice %arg9[%dma_start3A_221, %dma_start3A_223, %dma_start3A_224] : memref<8x128x64xf32, #tpu.memory_space<vmem>> -> memref<1x128x64xf32, #tpu.memory_space<vmem>>
      %dma_start3A_226 = tpu.memref_squeeze %dma_start3A_225 : memref<1x128x64xf32, #tpu.memory_space<vmem>> -> memref<128x64xf32, #tpu.memory_space<vmem>>
      %dma_start3A_227 = arith.constant 0 : i32
      %dma_start3A_228 = tpu.memref_slice %arg8[%add3A_220, %dma_start3A_227] : memref<80x128xi32, #tpu.memory_space<vmem>> -> memref<1x128xi32, #tpu.memory_space<vmem>>
      %dma_start3A_229 = tpu.memref_squeeze %dma_start3A_228 : memref<1x128xi32, #tpu.memory_space<vmem>> -> memref<128xi32, #tpu.memory_space<vmem>>
      %dma_start3A_230 = arith.constant 0 : i32
      %dma_start3A_231 = arith.constant 0 : i32
      %dma_start3A_232 = tpu.memref_slice %arg10[%dma_start3A_230, %dma_start3A_231] : memref<10240x64xf32, #tpu.memory_space<vmem_shared>> -> memref<10240x64xf32, #tpu.memory_space<vmem_shared>>
      %dma_start3A_233 = tpu.memref_slice %arg12[%dma_start3A_222] : memref<8x!tpu.dma_semaphore, #tpu.memory_space<semaphore_mem>> -> memref<1x!tpu.dma_semaphore, #tpu.memory_space<semaphore_mem>>
      %dma_start3A_234 = tpu.memref_squeeze %dma_start3A_233 : memref<1x!tpu.dma_semaphore, #tpu.memory_space<semaphore_mem>> -> memref<!tpu.dma_semaphore, #tpu.memory_space<semaphore_mem>>
      tpu.enqueue_indirect_dma source(%dma_start3A_226 : memref<128x64xf32, #tpu.memory_space<vmem>>) target(%dma_start3A_232 : memref<10240x64xf32, #tpu.memory_space<vmem_shared>>) offsets(%dma_start3A_229 : memref<128xi32, #tpu.memory_space<vmem>>) semaphore(%dma_start3A_234 : memref<!tpu.dma_semaphore, #tpu.memory_space<semaphore_mem>>) {add = true}
      %add3A_235 = arith.constant 3 : i32
      %add3A_236 = arith.addi %mul3A_139, %add3A_235 : i32
      %dma_wait3A_237 = arith.constant 3 : i32
      %dma_wait3A_238 = arith.constant 3 : i32
      %dma_wait3A_239 = arith.constant 0 : i32
      %dma_wait3A_240 = arith.constant 0 : i32
      %dma_wait3A_241 = tpu.memref_slice %arg9[%dma_wait3A_237, %dma_wait3A_239, %dma_wait3A_240] : memref<8x128x64xf32, #tpu.memory_space<vmem>> -> memref<1x128x64xf32, #tpu.memory_space<vmem>>
      %dma_wait3A_242 = tpu.memref_squeeze %dma_wait3A_241 : memref<1x128x64xf32, #tpu.memory_space<vmem>> -> memref<128x64xf32, #tpu.memory_space<vmem>>
      %dma_wait3A_243 = arith.constant 0 : i32
      %dma_wait3A_244 = tpu.memref_slice %arg7[%add3A_236, %dma_wait3A_243] : memref<80x128xi32, #tpu.memory_space<vmem>> -> memref<1x128xi32, #tpu.memory_space<vmem>>
      %dma_wait3A_245 = tpu.memref_squeeze %dma_wait3A_244 : memref<1x128xi32, #tpu.memory_space<vmem>> -> memref<128xi32, #tpu.memory_space<vmem>>
      %dma_wait3A_246 = arith.constant 0 : i32
      %dma_wait3A_247 = arith.constant 0 : i32
      %dma_wait3A_248 = tpu.memref_slice %arg4[%dma_wait3A_246, %dma_wait3A_247] : memref<10000x64xf32, #tpu.memory_space<hbm>> -> memref<10000x64xf32, #tpu.memory_space<hbm>>
      %dma_wait3A_249 = tpu.memref_slice %arg11[%dma_wait3A_238] : memref<8x!tpu.dma_semaphore, #tpu.memory_space<semaphore_mem>> -> memref<1x!tpu.dma_semaphore, #tpu.memory_space<semaphore_mem>>
      %dma_wait3A_250 = tpu.memref_squeeze %dma_wait3A_249 : memref<1x!tpu.dma_semaphore, #tpu.memory_space<semaphore_mem>> -> memref<!tpu.dma_semaphore, #tpu.memory_space<semaphore_mem>>
      tpu.wait_indirect_dma semaphore(%dma_wait3A_250 : memref<!tpu.dma_semaphore, #tpu.memory_space<semaphore_mem>>) src(%dma_wait3A_248 : memref<10000x64xf32, #tpu.memory_space<hbm>>) dst(%dma_wait3A_242 : memref<128x64xf32, #tpu.memory_space<vmem>>)
      %add3A_251 = arith.constant 3 : i32
      %add3A_252 = arith.addi %mul3A_139, %add3A_251 : i32
      %dma_start3A_253 = arith.constant 3 : i32
      %dma_start3A_254 = arith.constant 3 : i32
      %dma_start3A_255 = arith.constant 0 : i32
      %dma_start3A_256 = arith.constant 0 : i32
      %dma_start3A_257 = tpu.memref_slice %arg9[%dma_start3A_253, %dma_start3A_255, %dma_start3A_256] : memref<8x128x64xf32, #tpu.memory_space<vmem>> -> memref<1x128x64xf32, #tpu.memory_space<vmem>>
      %dma_start3A_258 = tpu.memref_squeeze %dma_start3A_257 : memref<1x128x64xf32, #tpu.memory_space<vmem>> -> memref<128x64xf32, #tpu.memory_space<vmem>>
      %dma_start3A_259 = arith.constant 0 : i32
      %dma_start3A_260 = tpu.memref_slice %arg8[%add3A_252, %dma_start3A_259] : memref<80x128xi32, #tpu.memory_space<vmem>> -> memref<1x128xi32, #tpu.memory_space<vmem>>
      %dma_start3A_261 = tpu.memref_squeeze %dma_start3A_260 : memref<1x128xi32, #tpu.memory_space<vmem>> -> memref<128xi32, #tpu.memory_space<vmem>>
      %dma_start3A_262 = arith.constant 0 : i32
      %dma_start3A_263 = arith.constant 0 : i32
      %dma_start3A_264 = tpu.memref_slice %arg10[%dma_start3A_262, %dma_start3A_263] : memref<10240x64xf32, #tpu.memory_space<vmem_shared>> -> memref<10240x64xf32, #tpu.memory_space<vmem_shared>>
      %dma_start3A_265 = tpu.memref_slice %arg12[%dma_start3A_254] : memref<8x!tpu.dma_semaphore, #tpu.memory_space<semaphore_mem>> -> memref<1x!tpu.dma_semaphore, #tpu.memory_space<semaphore_mem>>
      %dma_start3A_266 = tpu.memref_squeeze %dma_start3A_265 : memref<1x!tpu.dma_semaphore, #tpu.memory_space<semaphore_mem>> -> memref<!tpu.dma_semaphore, #tpu.memory_space<semaphore_mem>>
      tpu.enqueue_indirect_dma source(%dma_start3A_258 : memref<128x64xf32, #tpu.memory_space<vmem>>) target(%dma_start3A_264 : memref<10240x64xf32, #tpu.memory_space<vmem_shared>>) offsets(%dma_start3A_261 : memref<128xi32, #tpu.memory_space<vmem>>) semaphore(%dma_start3A_266 : memref<!tpu.dma_semaphore, #tpu.memory_space<semaphore_mem>>) {add = true}
      %add3A_267 = arith.constant 4 : i32
      %add3A_268 = arith.addi %mul3A_139, %add3A_267 : i32
      %dma_wait3A_269 = arith.constant 4 : i32
      %dma_wait3A_270 = arith.constant 4 : i32
      %dma_wait3A_271 = arith.constant 0 : i32
      %dma_wait3A_272 = arith.constant 0 : i32
      %dma_wait3A_273 = tpu.memref_slice %arg9[%dma_wait3A_269, %dma_wait3A_271, %dma_wait3A_272] : memref<8x128x64xf32, #tpu.memory_space<vmem>> -> memref<1x128x64xf32, #tpu.memory_space<vmem>>
      %dma_wait3A_274 = tpu.memref_squeeze %dma_wait3A_273 : memref<1x128x64xf32, #tpu.memory_space<vmem>> -> memref<128x64xf32, #tpu.memory_space<vmem>>
      %dma_wait3A_275 = arith.constant 0 : i32
      %dma_wait3A_276 = tpu.memref_slice %arg7[%add3A_268, %dma_wait3A_275] : memref<80x128xi32, #tpu.memory_space<vmem>> -> memref<1x128xi32, #tpu.memory_space<vmem>>
      %dma_wait3A_277 = tpu.memref_squeeze %dma_wait3A_276 : memref<1x128xi32, #tpu.memory_space<vmem>> -> memref<128xi32, #tpu.memory_space<vmem>>
      %dma_wait3A_278 = arith.constant 0 : i32
      %dma_wait3A_279 = arith.constant 0 : i32
      %dma_wait3A_280 = tpu.memref_slice %arg4[%dma_wait3A_278, %dma_wait3A_279] : memref<10000x64xf32, #tpu.memory_space<hbm>> -> memref<10000x64xf32, #tpu.memory_space<hbm>>
      %dma_wait3A_281 = tpu.memref_slice %arg11[%dma_wait3A_270] : memref<8x!tpu.dma_semaphore, #tpu.memory_space<semaphore_mem>> -> memref<1x!tpu.dma_semaphore, #tpu.memory_space<semaphore_mem>>
      %dma_wait3A_282 = tpu.memref_squeeze %dma_wait3A_281 : memref<1x!tpu.dma_semaphore, #tpu.memory_space<semaphore_mem>> -> memref<!tpu.dma_semaphore, #tpu.memory_space<semaphore_mem>>
      tpu.wait_indirect_dma semaphore(%dma_wait3A_282 : memref<!tpu.dma_semaphore, #tpu.memory_space<semaphore_mem>>) src(%dma_wait3A_280 : memref<10000x64xf32, #tpu.memory_space<hbm>>) dst(%dma_wait3A_274 : memref<128x64xf32, #tpu.memory_space<vmem>>)
      %add3A_283 = arith.constant 4 : i32
      %add3A_284 = arith.addi %mul3A_139, %add3A_283 : i32
      %dma_start3A_285 = arith.constant 4 : i32
      %dma_start3A_286 = arith.constant 4 : i32
      %dma_start3A_287 = arith.constant 0 : i32
      %dma_start3A_288 = arith.constant 0 : i32
      %dma_start3A_289 = tpu.memref_slice %arg9[%dma_start3A_285, %dma_start3A_287, %dma_start3A_288] : memref<8x128x64xf32, #tpu.memory_space<vmem>> -> memref<1x128x64xf32, #tpu.memory_space<vmem>>
      %dma_start3A_290 = tpu.memref_squeeze %dma_start3A_289 : memref<1x128x64xf32, #tpu.memory_space<vmem>> -> memref<128x64xf32, #tpu.memory_space<vmem>>
      %dma_start3A_291 = arith.constant 0 : i32
      %dma_start3A_292 = tpu.memref_slice %arg8[%add3A_284, %dma_start3A_291] : memref<80x128xi32, #tpu.memory_space<vmem>> -> memref<1x128xi32, #tpu.memory_space<vmem>>
      %dma_start3A_293 = tpu.memref_squeeze %dma_start3A_292 : memref<1x128xi32, #tpu.memory_space<vmem>> -> memref<128xi32, #tpu.memory_space<vmem>>
      %dma_start3A_294 = arith.constant 0 : i32
      %dma_start3A_295 = arith.constant 0 : i32
      %dma_start3A_296 = tpu.memref_slice %arg10[%dma_start3A_294, %dma_start3A_295] : memref<10240x64xf32, #tpu.memory_space<vmem_shared>> -> memref<10240x64xf32, #tpu.memory_space<vmem_shared>>
      %dma_start3A_297 = tpu.memref_slice %arg12[%dma_start3A_286] : memref<8x!tpu.dma_semaphore, #tpu.memory_space<semaphore_mem>> -> memref<1x!tpu.dma_semaphore, #tpu.memory_space<semaphore_mem>>
      %dma_start3A_298 = tpu.memref_squeeze %dma_start3A_297 : memref<1x!tpu.dma_semaphore, #tpu.memory_space<semaphore_mem>> -> memref<!tpu.dma_semaphore, #tpu.memory_space<semaphore_mem>>
      tpu.enqueue_indirect_dma source(%dma_start3A_290 : memref<128x64xf32, #tpu.memory_space<vmem>>) target(%dma_start3A_296 : memref<10240x64xf32, #tpu.memory_space<vmem_shared>>) offsets(%dma_start3A_293 : memref<128xi32, #tpu.memory_space<vmem>>) semaphore(%dma_start3A_298 : memref<!tpu.dma_semaphore, #tpu.memory_space<semaphore_mem>>) {add = true}
      %add3A_299 = arith.constant 5 : i32
      %add3A_300 = arith.addi %mul3A_139, %add3A_299 : i32
      %dma_wait3A_301 = arith.constant 5 : i32
      %dma_wait3A_302 = arith.constant 5 : i32
      %dma_wait3A_303 = arith.constant 0 : i32
      %dma_wait3A_304 = arith.constant 0 : i32
      %dma_wait3A_305 = tpu.memref_slice %arg9[%dma_wait3A_301, %dma_wait3A_303, %dma_wait3A_304] : memref<8x128x64xf32, #tpu.memory_space<vmem>> -> memref<1x128x64xf32, #tpu.memory_space<vmem>>
      %dma_wait3A_306 = tpu.memref_squeeze %dma_wait3A_305 : memref<1x128x64xf32, #tpu.memory_space<vmem>> -> memref<128x64xf32, #tpu.memory_space<vmem>>
      %dma_wait3A_307 = arith.constant 0 : i32
      %dma_wait3A_308 = tpu.memref_slice %arg7[%add3A_300, %dma_wait3A_307] : memref<80x128xi32, #tpu.memory_space<vmem>> -> memref<1x128xi32, #tpu.memory_space<vmem>>
      %dma_wait3A_309 = tpu.memref_squeeze %dma_wait3A_308 : memref<1x128xi32, #tpu.memory_space<vmem>> -> memref<128xi32, #tpu.memory_space<vmem>>
      %dma_wait3A_310 = arith.constant 0 : i32
      %dma_wait3A_311 = arith.constant 0 : i32
      %dma_wait3A_312 = tpu.memref_slice %arg4[%dma_wait3A_310, %dma_wait3A_311] : memref<10000x64xf32, #tpu.memory_space<hbm>> -> memref<10000x64xf32, #tpu.memory_space<hbm>>
      %dma_wait3A_313 = tpu.memref_slice %arg11[%dma_wait3A_302] : memref<8x!tpu.dma_semaphore, #tpu.memory_space<semaphore_mem>> -> memref<1x!tpu.dma_semaphore, #tpu.memory_space<semaphore_mem>>
      %dma_wait3A_314 = tpu.memref_squeeze %dma_wait3A_313 : memref<1x!tpu.dma_semaphore, #tpu.memory_space<semaphore_mem>> -> memref<!tpu.dma_semaphore, #tpu.memory_space<semaphore_mem>>
      tpu.wait_indirect_dma semaphore(%dma_wait3A_314 : memref<!tpu.dma_semaphore, #tpu.memory_space<semaphore_mem>>) src(%dma_wait3A_312 : memref<10000x64xf32, #tpu.memory_space<hbm>>) dst(%dma_wait3A_306 : memref<128x64xf32, #tpu.memory_space<vmem>>)
      %add3A_315 = arith.constant 5 : i32
      %add3A_316 = arith.addi %mul3A_139, %add3A_315 : i32
      %dma_start3A_317 = arith.constant 5 : i32
      %dma_start3A_318 = arith.constant 5 : i32
      %dma_start3A_319 = arith.constant 0 : i32
      %dma_start3A_320 = arith.constant 0 : i32
      %dma_start3A_321 = tpu.memref_slice %arg9[%dma_start3A_317, %dma_start3A_319, %dma_start3A_320] : memref<8x128x64xf32, #tpu.memory_space<vmem>> -> memref<1x128x64xf32, #tpu.memory_space<vmem>>
      %dma_start3A_322 = tpu.memref_squeeze %dma_start3A_321 : memref<1x128x64xf32, #tpu.memory_space<vmem>> -> memref<128x64xf32, #tpu.memory_space<vmem>>
      %dma_start3A_323 = arith.constant 0 : i32
      %dma_start3A_324 = tpu.memref_slice %arg8[%add3A_316, %dma_start3A_323] : memref<80x128xi32, #tpu.memory_space<vmem>> -> memref<1x128xi32, #tpu.memory_space<vmem>>
      %dma_start3A_325 = tpu.memref_squeeze %dma_start3A_324 : memref<1x128xi32, #tpu.memory_space<vmem>> -> memref<128xi32, #tpu.memory_space<vmem>>
      %dma_start3A_326 = arith.constant 0 : i32
      %dma_start3A_327 = arith.constant 0 : i32
      %dma_start3A_328 = tpu.memref_slice %arg10[%dma_start3A_326, %dma_start3A_327] : memref<10240x64xf32, #tpu.memory_space<vmem_shared>> -> memref<10240x64xf32, #tpu.memory_space<vmem_shared>>
      %dma_start3A_329 = tpu.memref_slice %arg12[%dma_start3A_318] : memref<8x!tpu.dma_semaphore, #tpu.memory_space<semaphore_mem>> -> memref<1x!tpu.dma_semaphore, #tpu.memory_space<semaphore_mem>>
      %dma_start3A_330 = tpu.memref_squeeze %dma_start3A_329 : memref<1x!tpu.dma_semaphore, #tpu.memory_space<semaphore_mem>> -> memref<!tpu.dma_semaphore, #tpu.memory_space<semaphore_mem>>
      tpu.enqueue_indirect_dma source(%dma_start3A_322 : memref<128x64xf32, #tpu.memory_space<vmem>>) target(%dma_start3A_328 : memref<10240x64xf32, #tpu.memory_space<vmem_shared>>) offsets(%dma_start3A_325 : memref<128xi32, #tpu.memory_space<vmem>>) semaphore(%dma_start3A_330 : memref<!tpu.dma_semaphore, #tpu.memory_space<semaphore_mem>>) {add = true}
      %add3A_331 = arith.constant 6 : i32
      %add3A_332 = arith.addi %mul3A_139, %add3A_331 : i32
      %dma_wait3A_333 = arith.constant 6 : i32
      %dma_wait3A_334 = arith.constant 6 : i32
      %dma_wait3A_335 = arith.constant 0 : i32
      %dma_wait3A_336 = arith.constant 0 : i32
      %dma_wait3A_337 = tpu.memref_slice %arg9[%dma_wait3A_333, %dma_wait3A_335, %dma_wait3A_336] : memref<8x128x64xf32, #tpu.memory_space<vmem>> -> memref<1x128x64xf32, #tpu.memory_space<vmem>>
      %dma_wait3A_338 = tpu.memref_squeeze %dma_wait3A_337 : memref<1x128x64xf32, #tpu.memory_space<vmem>> -> memref<128x64xf32, #tpu.memory_space<vmem>>
      %dma_wait3A_339 = arith.constant 0 : i32
      %dma_wait3A_340 = tpu.memref_slice %arg7[%add3A_332, %dma_wait3A_339] : memref<80x128xi32, #tpu.memory_space<vmem>> -> memref<1x128xi32, #tpu.memory_space<vmem>>
      %dma_wait3A_341 = tpu.memref_squeeze %dma_wait3A_340 : memref<1x128xi32, #tpu.memory_space<vmem>> -> memref<128xi32, #tpu.memory_space<vmem>>
      %dma_wait3A_342 = arith.constant 0 : i32
      %dma_wait3A_343 = arith.constant 0 : i32
      %dma_wait3A_344 = tpu.memref_slice %arg4[%dma_wait3A_342, %dma_wait3A_343] : memref<10000x64xf32, #tpu.memory_space<hbm>> -> memref<10000x64xf32, #tpu.memory_space<hbm>>
      %dma_wait3A_345 = tpu.memref_slice %arg11[%dma_wait3A_334] : memref<8x!tpu.dma_semaphore, #tpu.memory_space<semaphore_mem>> -> memref<1x!tpu.dma_semaphore, #tpu.memory_space<semaphore_mem>>
      %dma_wait3A_346 = tpu.memref_squeeze %dma_wait3A_345 : memref<1x!tpu.dma_semaphore, #tpu.memory_space<semaphore_mem>> -> memref<!tpu.dma_semaphore, #tpu.memory_space<semaphore_mem>>
      tpu.wait_indirect_dma semaphore(%dma_wait3A_346 : memref<!tpu.dma_semaphore, #tpu.memory_space<semaphore_mem>>) src(%dma_wait3A_344 : memref<10000x64xf32, #tpu.memory_space<hbm>>) dst(%dma_wait3A_338 : memref<128x64xf32, #tpu.memory_space<vmem>>)
      %add3A_347 = arith.constant 6 : i32
      %add3A_348 = arith.addi %mul3A_139, %add3A_347 : i32
      %dma_start3A_349 = arith.constant 6 : i32
      %dma_start3A_350 = arith.constant 6 : i32
      %dma_start3A_351 = arith.constant 0 : i32
      %dma_start3A_352 = arith.constant 0 : i32
      %dma_start3A_353 = tpu.memref_slice %arg9[%dma_start3A_349, %dma_start3A_351, %dma_start3A_352] : memref<8x128x64xf32, #tpu.memory_space<vmem>> -> memref<1x128x64xf32, #tpu.memory_space<vmem>>
      %dma_start3A_354 = tpu.memref_squeeze %dma_start3A_353 : memref<1x128x64xf32, #tpu.memory_space<vmem>> -> memref<128x64xf32, #tpu.memory_space<vmem>>
      %dma_start3A_355 = arith.constant 0 : i32
      %dma_start3A_356 = tpu.memref_slice %arg8[%add3A_348, %dma_start3A_355] : memref<80x128xi32, #tpu.memory_space<vmem>> -> memref<1x128xi32, #tpu.memory_space<vmem>>
      %dma_start3A_357 = tpu.memref_squeeze %dma_start3A_356 : memref<1x128xi32, #tpu.memory_space<vmem>> -> memref<128xi32, #tpu.memory_space<vmem>>
      %dma_start3A_358 = arith.constant 0 : i32
      %dma_start3A_359 = arith.constant 0 : i32
      %dma_start3A_360 = tpu.memref_slice %arg10[%dma_start3A_358, %dma_start3A_359] : memref<10240x64xf32, #tpu.memory_space<vmem_shared>> -> memref<10240x64xf32, #tpu.memory_space<vmem_shared>>
      %dma_start3A_361 = tpu.memref_slice %arg12[%dma_start3A_350] : memref<8x!tpu.dma_semaphore, #tpu.memory_space<semaphore_mem>> -> memref<1x!tpu.dma_semaphore, #tpu.memory_space<semaphore_mem>>
      %dma_start3A_362 = tpu.memref_squeeze %dma_start3A_361 : memref<1x!tpu.dma_semaphore, #tpu.memory_space<semaphore_mem>> -> memref<!tpu.dma_semaphore, #tpu.memory_space<semaphore_mem>>
      tpu.enqueue_indirect_dma source(%dma_start3A_354 : memref<128x64xf32, #tpu.memory_space<vmem>>) target(%dma_start3A_360 : memref<10240x64xf32, #tpu.memory_space<vmem_shared>>) offsets(%dma_start3A_357 : memref<128xi32, #tpu.memory_space<vmem>>) semaphore(%dma_start3A_362 : memref<!tpu.dma_semaphore, #tpu.memory_space<semaphore_mem>>) {add = true}
      %add3A_363 = arith.constant 7 : i32
      %add3A_364 = arith.addi %mul3A_139, %add3A_363 : i32
      %dma_wait3A_365 = arith.constant 7 : i32
      %dma_wait3A_366 = arith.constant 7 : i32
      %dma_wait3A_367 = arith.constant 0 : i32
      %dma_wait3A_368 = arith.constant 0 : i32
      %dma_wait3A_369 = tpu.memref_slice %arg9[%dma_wait3A_365, %dma_wait3A_367, %dma_wait3A_368] : memref<8x128x64xf32, #tpu.memory_space<vmem>> -> memref<1x128x64xf32, #tpu.memory_space<vmem>>
      %dma_wait3A_370 = tpu.memref_squeeze %dma_wait3A_369 : memref<1x128x64xf32, #tpu.memory_space<vmem>> -> memref<128x64xf32, #tpu.memory_space<vmem>>
      %dma_wait3A_371 = arith.constant 0 : i32
      %dma_wait3A_372 = tpu.memref_slice %arg7[%add3A_364, %dma_wait3A_371] : memref<80x128xi32, #tpu.memory_space<vmem>> -> memref<1x128xi32, #tpu.memory_space<vmem>>
      %dma_wait3A_373 = tpu.memref_squeeze %dma_wait3A_372 : memref<1x128xi32, #tpu.memory_space<vmem>> -> memref<128xi32, #tpu.memory_space<vmem>>
      %dma_wait3A_374 = arith.constant 0 : i32
      %dma_wait3A_375 = arith.constant 0 : i32
      %dma_wait3A_376 = tpu.memref_slice %arg4[%dma_wait3A_374, %dma_wait3A_375] : memref<10000x64xf32, #tpu.memory_space<hbm>> -> memref<10000x64xf32, #tpu.memory_space<hbm>>
      %dma_wait3A_377 = tpu.memref_slice %arg11[%dma_wait3A_366] : memref<8x!tpu.dma_semaphore, #tpu.memory_space<semaphore_mem>> -> memref<1x!tpu.dma_semaphore, #tpu.memory_space<semaphore_mem>>
      %dma_wait3A_378 = tpu.memref_squeeze %dma_wait3A_377 : memref<1x!tpu.dma_semaphore, #tpu.memory_space<semaphore_mem>> -> memref<!tpu.dma_semaphore, #tpu.memory_space<semaphore_mem>>
      tpu.wait_indirect_dma semaphore(%dma_wait3A_378 : memref<!tpu.dma_semaphore, #tpu.memory_space<semaphore_mem>>) src(%dma_wait3A_376 : memref<10000x64xf32, #tpu.memory_space<hbm>>) dst(%dma_wait3A_370 : memref<128x64xf32, #tpu.memory_space<vmem>>)
      %add3A_379 = arith.constant 7 : i32
      %add3A_380 = arith.addi %mul3A_139, %add3A_379 : i32
      %dma_start3A_381 = arith.constant 7 : i32
      %dma_start3A_382 = arith.constant 7 : i32
      %dma_start3A_383 = arith.constant 0 : i32
      %dma_start3A_384 = arith.constant 0 : i32
      %dma_start3A_385 = tpu.memref_slice %arg9[%dma_start3A_381, %dma_start3A_383, %dma_start3A_384] : memref<8x128x64xf32, #tpu.memory_space<vmem>> -> memref<1x128x64xf32, #tpu.memory_space<vmem>>
      %dma_start3A_386 = tpu.memref_squeeze %dma_start3A_385 : memref<1x128x64xf32, #tpu.memory_space<vmem>> -> memref<128x64xf32, #tpu.memory_space<vmem>>
      %dma_start3A_387 = arith.constant 0 : i32
      %dma_start3A_388 = tpu.memref_slice %arg8[%add3A_380, %dma_start3A_387] : memref<80x128xi32, #tpu.memory_space<vmem>> -> memref<1x128xi32, #tpu.memory_space<vmem>>
      %dma_start3A_389 = tpu.memref_squeeze %dma_start3A_388 : memref<1x128xi32, #tpu.memory_space<vmem>> -> memref<128xi32, #tpu.memory_space<vmem>>
      %dma_start3A_390 = arith.constant 0 : i32
      %dma_start3A_391 = arith.constant 0 : i32
      %dma_start3A_392 = tpu.memref_slice %arg10[%dma_start3A_390, %dma_start3A_391] : memref<10240x64xf32, #tpu.memory_space<vmem_shared>> -> memref<10240x64xf32, #tpu.memory_space<vmem_shared>>
      %dma_start3A_393 = tpu.memref_slice %arg12[%dma_start3A_382] : memref<8x!tpu.dma_semaphore, #tpu.memory_space<semaphore_mem>> -> memref<1x!tpu.dma_semaphore, #tpu.memory_space<semaphore_mem>>
      %dma_start3A_394 = tpu.memref_squeeze %dma_start3A_393 : memref<1x!tpu.dma_semaphore, #tpu.memory_space<semaphore_mem>> -> memref<!tpu.dma_semaphore, #tpu.memory_space<semaphore_mem>>
      tpu.enqueue_indirect_dma source(%dma_start3A_386 : memref<128x64xf32, #tpu.memory_space<vmem>>) target(%dma_start3A_392 : memref<10240x64xf32, #tpu.memory_space<vmem_shared>>) offsets(%dma_start3A_389 : memref<128xi32, #tpu.memory_space<vmem>>) semaphore(%dma_start3A_394 : memref<!tpu.dma_semaphore, #tpu.memory_space<semaphore_mem>>) {add = true}
      %add3A_395 = arith.constant 0 : i32
      %add3A_396 = arith.addi %mul3A_139, %add3A_395 : i32
      %dma_wait3A_397 = arith.constant 0 : i32
      %dma_wait3A_398 = arith.constant 0 : i32
      %dma_wait3A_399 = arith.constant 0 : i32
      %dma_wait3A_400 = arith.constant 0 : i32
      %dma_wait3A_401 = tpu.memref_slice %arg9[%dma_wait3A_397, %dma_wait3A_399, %dma_wait3A_400] : memref<8x128x64xf32, #tpu.memory_space<vmem>> -> memref<1x128x64xf32, #tpu.memory_space<vmem>>
      %dma_wait3A_402 = tpu.memref_squeeze %dma_wait3A_401 : memref<1x128x64xf32, #tpu.memory_space<vmem>> -> memref<128x64xf32, #tpu.memory_space<vmem>>
      %dma_wait3A_403 = arith.constant 0 : i32
      %dma_wait3A_404 = tpu.memref_slice %arg8[%add3A_396, %dma_wait3A_403] : memref<80x128xi32, #tpu.memory_space<vmem>> -> memref<1x128xi32, #tpu.memory_space<vmem>>
      %dma_wait3A_405 = tpu.memref_squeeze %dma_wait3A_404 : memref<1x128xi32, #tpu.memory_space<vmem>> -> memref<128xi32, #tpu.memory_space<vmem>>
      %dma_wait3A_406 = arith.constant 0 : i32
      %dma_wait3A_407 = arith.constant 0 : i32
      %dma_wait3A_408 = tpu.memref_slice %arg10[%dma_wait3A_406, %dma_wait3A_407] : memref<10240x64xf32, #tpu.memory_space<vmem_shared>> -> memref<10240x64xf32, #tpu.memory_space<vmem_shared>>
      %dma_wait3A_409 = tpu.memref_slice %arg12[%dma_wait3A_398] : memref<8x!tpu.dma_semaphore, #tpu.memory_space<semaphore_mem>> -> memref<1x!tpu.dma_semaphore, #tpu.memory_space<semaphore_mem>>
      %dma_wait3A_410 = tpu.memref_squeeze %dma_wait3A_409 : memref<1x!tpu.dma_semaphore, #tpu.memory_space<semaphore_mem>> -> memref<!tpu.dma_semaphore, #tpu.memory_space<semaphore_mem>>
      tpu.wait_indirect_dma semaphore(%dma_wait3A_410 : memref<!tpu.dma_semaphore, #tpu.memory_space<semaphore_mem>>) src(%dma_wait3A_402 : memref<128x64xf32, #tpu.memory_space<vmem>>) dst(%dma_wait3A_408 : memref<10240x64xf32, #tpu.memory_space<vmem_shared>>)
      %add3A_411 = arith.constant 8 : i32
      %add3A_412 = arith.addi %mul3A_139, %add3A_411 : i32
      %add3A_413 = arith.constant 0 : i32
      %add3A_414 = arith.addi %add3A_412, %add3A_413 : i32
      %lt3A = arith.constant 80 : i32
      %lt3A_415 = arith.cmpi slt, %add3A_414, %lt3A : i32
      %convert_element_type3A = arith.extui %lt3A_415 : i1 to i32
      %cond3A = arith.constant 0 : i32
      %cond3A_416 = arith.cmpi ne, %convert_element_type3A, %cond3A : i32
      scf.if %cond3A_416 {
        %dma_start3A_592 = arith.constant 0 : i32
        %dma_start3A_593 = arith.constant 0 : i32
        %dma_start3A_594 = arith.constant 0 : i32
        %dma_start3A_595 = arith.constant 0 : i32
        %dma_start3A_596 = tpu.memref_slice %arg9[%dma_start3A_592, %dma_start3A_594, %dma_start3A_595] : memref<8x128x64xf32, #tpu.memory_space<vmem>> -> memref<1x128x64xf32, #tpu.memory_space<vmem>>
        %dma_start3A_597 = tpu.memref_squeeze %dma_start3A_596 : memref<1x128x64xf32, #tpu.memory_space<vmem>> -> memref<128x64xf32, #tpu.memory_space<vmem>>
        %dma_start3A_598 = arith.constant 0 : i32
        %dma_start3A_599 = tpu.memref_slice %arg7[%add3A_414, %dma_start3A_598] : memref<80x128xi32, #tpu.memory_space<vmem>> -> memref<1x128xi32, #tpu.memory_space<vmem>>
        %dma_start3A_600 = tpu.memref_squeeze %dma_start3A_599 : memref<1x128xi32, #tpu.memory_space<vmem>> -> memref<128xi32, #tpu.memory_space<vmem>>
        %dma_start3A_601 = arith.constant 0 : i32
        %dma_start3A_602 = arith.constant 0 : i32
        %dma_start3A_603 = tpu.memref_slice %arg4[%dma_start3A_601, %dma_start3A_602] : memref<10000x64xf32, #tpu.memory_space<hbm>> -> memref<10000x64xf32, #tpu.memory_space<hbm>>
        %dma_start3A_604 = tpu.memref_slice %arg11[%dma_start3A_593] : memref<8x!tpu.dma_semaphore, #tpu.memory_space<semaphore_mem>> -> memref<1x!tpu.dma_semaphore, #tpu.memory_space<semaphore_mem>>
        %dma_start3A_605 = tpu.memref_squeeze %dma_start3A_604 : memref<1x!tpu.dma_semaphore, #tpu.memory_space<semaphore_mem>> -> memref<!tpu.dma_semaphore, #tpu.memory_space<semaphore_mem>>
        tpu.enqueue_indirect_dma source(%dma_start3A_603 : memref<10000x64xf32, #tpu.memory_space<hbm>>) target(%dma_start3A_597 : memref<128x64xf32, #tpu.memory_space<vmem>>) offsets(%dma_start3A_600 : memref<128xi32, #tpu.memory_space<vmem>>) semaphore(%dma_start3A_605 : memref<!tpu.dma_semaphore, #tpu.memory_space<semaphore_mem>>)
      } else {
      }
      %add3A_417 = arith.constant 1 : i32
      %add3A_418 = arith.addi %mul3A_139, %add3A_417 : i32
      %dma_wait3A_419 = arith.constant 1 : i32
      %dma_wait3A_420 = arith.constant 1 : i32
      %dma_wait3A_421 = arith.constant 0 : i32
      %dma_wait3A_422 = arith.constant 0 : i32
      %dma_wait3A_423 = tpu.memref_slice %arg9[%dma_wait3A_419, %dma_wait3A_421, %dma_wait3A_422] : memref<8x128x64xf32, #tpu.memory_space<vmem>> -> memref<1x128x64xf32, #tpu.memory_space<vmem>>
      %dma_wait3A_424 = tpu.memref_squeeze %dma_wait3A_423 : memref<1x128x64xf32, #tpu.memory_space<vmem>> -> memref<128x64xf32, #tpu.memory_space<vmem>>
      %dma_wait3A_425 = arith.constant 0 : i32
      %dma_wait3A_426 = tpu.memref_slice %arg8[%add3A_418, %dma_wait3A_425] : memref<80x128xi32, #tpu.memory_space<vmem>> -> memref<1x128xi32, #tpu.memory_space<vmem>>
      %dma_wait3A_427 = tpu.memref_squeeze %dma_wait3A_426 : memref<1x128xi32, #tpu.memory_space<vmem>> -> memref<128xi32, #tpu.memory_space<vmem>>
      %dma_wait3A_428 = arith.constant 0 : i32
      %dma_wait3A_429 = arith.constant 0 : i32
      %dma_wait3A_430 = tpu.memref_slice %arg10[%dma_wait3A_428, %dma_wait3A_429] : memref<10240x64xf32, #tpu.memory_space<vmem_shared>> -> memref<10240x64xf32, #tpu.memory_space<vmem_shared>>
      %dma_wait3A_431 = tpu.memref_slice %arg12[%dma_wait3A_420] : memref<8x!tpu.dma_semaphore, #tpu.memory_space<semaphore_mem>> -> memref<1x!tpu.dma_semaphore, #tpu.memory_space<semaphore_mem>>
      %dma_wait3A_432 = tpu.memref_squeeze %dma_wait3A_431 : memref<1x!tpu.dma_semaphore, #tpu.memory_space<semaphore_mem>> -> memref<!tpu.dma_semaphore, #tpu.memory_space<semaphore_mem>>
      tpu.wait_indirect_dma semaphore(%dma_wait3A_432 : memref<!tpu.dma_semaphore, #tpu.memory_space<semaphore_mem>>) src(%dma_wait3A_424 : memref<128x64xf32, #tpu.memory_space<vmem>>) dst(%dma_wait3A_430 : memref<10240x64xf32, #tpu.memory_space<vmem_shared>>)
      %add3A_433 = arith.constant 8 : i32
      %add3A_434 = arith.addi %mul3A_139, %add3A_433 : i32
      %add3A_435 = arith.constant 1 : i32
      %add3A_436 = arith.addi %add3A_434, %add3A_435 : i32
      %lt3A_437 = arith.constant 80 : i32
      %lt3A_438 = arith.cmpi slt, %add3A_436, %lt3A_437 : i32
      %convert_element_type3A_439 = arith.extui %lt3A_438 : i1 to i32
      %cond3A_440 = arith.constant 0 : i32
      %cond3A_441 = arith.cmpi ne, %convert_element_type3A_439, %cond3A_440 : i32
      scf.if %cond3A_441 {
        %dma_start3A_592 = arith.constant 1 : i32
        %dma_start3A_593 = arith.constant 1 : i32
        %dma_start3A_594 = arith.constant 0 : i32
        %dma_start3A_595 = arith.constant 0 : i32
        %dma_start3A_596 = tpu.memref_slice %arg9[%dma_start3A_592, %dma_start3A_594, %dma_start3A_595] : memref<8x128x64xf32, #tpu.memory_space<vmem>> -> memref<1x128x64xf32, #tpu.memory_space<vmem>>
        %dma_start3A_597 = tpu.memref_squeeze %dma_start3A_596 : memref<1x128x64xf32, #tpu.memory_space<vmem>> -> memref<128x64xf32, #tpu.memory_space<vmem>>
        %dma_start3A_598 = arith.constant 0 : i32
        %dma_start3A_599 = tpu.memref_slice %arg7[%add3A_436, %dma_start3A_598] : memref<80x128xi32, #tpu.memory_space<vmem>> -> memref<1x128xi32, #tpu.memory_space<vmem>>
        %dma_start3A_600 = tpu.memref_squeeze %dma_start3A_599 : memref<1x128xi32, #tpu.memory_space<vmem>> -> memref<128xi32, #tpu.memory_space<vmem>>
        %dma_start3A_601 = arith.constant 0 : i32
        %dma_start3A_602 = arith.constant 0 : i32
        %dma_start3A_603 = tpu.memref_slice %arg4[%dma_start3A_601, %dma_start3A_602] : memref<10000x64xf32, #tpu.memory_space<hbm>> -> memref<10000x64xf32, #tpu.memory_space<hbm>>
        %dma_start3A_604 = tpu.memref_slice %arg11[%dma_start3A_593] : memref<8x!tpu.dma_semaphore, #tpu.memory_space<semaphore_mem>> -> memref<1x!tpu.dma_semaphore, #tpu.memory_space<semaphore_mem>>
        %dma_start3A_605 = tpu.memref_squeeze %dma_start3A_604 : memref<1x!tpu.dma_semaphore, #tpu.memory_space<semaphore_mem>> -> memref<!tpu.dma_semaphore, #tpu.memory_space<semaphore_mem>>
        tpu.enqueue_indirect_dma source(%dma_start3A_603 : memref<10000x64xf32, #tpu.memory_space<hbm>>) target(%dma_start3A_597 : memref<128x64xf32, #tpu.memory_space<vmem>>) offsets(%dma_start3A_600 : memref<128xi32, #tpu.memory_space<vmem>>) semaphore(%dma_start3A_605 : memref<!tpu.dma_semaphore, #tpu.memory_space<semaphore_mem>>)
      } else {
      }
      %add3A_442 = arith.constant 2 : i32
      %add3A_443 = arith.addi %mul3A_139, %add3A_442 : i32
      %dma_wait3A_444 = arith.constant 2 : i32
      %dma_wait3A_445 = arith.constant 2 : i32
      %dma_wait3A_446 = arith.constant 0 : i32
      %dma_wait3A_447 = arith.constant 0 : i32
      %dma_wait3A_448 = tpu.memref_slice %arg9[%dma_wait3A_444, %dma_wait3A_446, %dma_wait3A_447] : memref<8x128x64xf32, #tpu.memory_space<vmem>> -> memref<1x128x64xf32, #tpu.memory_space<vmem>>
      %dma_wait3A_449 = tpu.memref_squeeze %dma_wait3A_448 : memref<1x128x64xf32, #tpu.memory_space<vmem>> -> memref<128x64xf32, #tpu.memory_space<vmem>>
      %dma_wait3A_450 = arith.constant 0 : i32
      %dma_wait3A_451 = tpu.memref_slice %arg8[%add3A_443, %dma_wait3A_450] : memref<80x128xi32, #tpu.memory_space<vmem>> -> memref<1x128xi32, #tpu.memory_space<vmem>>
      %dma_wait3A_452 = tpu.memref_squeeze %dma_wait3A_451 : memref<1x128xi32, #tpu.memory_space<vmem>> -> memref<128xi32, #tpu.memory_space<vmem>>
      %dma_wait3A_453 = arith.constant 0 : i32
      %dma_wait3A_454 = arith.constant 0 : i32
      %dma_wait3A_455 = tpu.memref_slice %arg10[%dma_wait3A_453, %dma_wait3A_454] : memref<10240x64xf32, #tpu.memory_space<vmem_shared>> -> memref<10240x64xf32, #tpu.memory_space<vmem_shared>>
      %dma_wait3A_456 = tpu.memref_slice %arg12[%dma_wait3A_445] : memref<8x!tpu.dma_semaphore, #tpu.memory_space<semaphore_mem>> -> memref<1x!tpu.dma_semaphore, #tpu.memory_space<semaphore_mem>>
      %dma_wait3A_457 = tpu.memref_squeeze %dma_wait3A_456 : memref<1x!tpu.dma_semaphore, #tpu.memory_space<semaphore_mem>> -> memref<!tpu.dma_semaphore, #tpu.memory_space<semaphore_mem>>
      tpu.wait_indirect_dma semaphore(%dma_wait3A_457 : memref<!tpu.dma_semaphore, #tpu.memory_space<semaphore_mem>>) src(%dma_wait3A_449 : memref<128x64xf32, #tpu.memory_space<vmem>>) dst(%dma_wait3A_455 : memref<10240x64xf32, #tpu.memory_space<vmem_shared>>)
      %add3A_458 = arith.constant 8 : i32
      %add3A_459 = arith.addi %mul3A_139, %add3A_458 : i32
      %add3A_460 = arith.constant 2 : i32
      %add3A_461 = arith.addi %add3A_459, %add3A_460 : i32
      %lt3A_462 = arith.constant 80 : i32
      %lt3A_463 = arith.cmpi slt, %add3A_461, %lt3A_462 : i32
      %convert_element_type3A_464 = arith.extui %lt3A_463 : i1 to i32
      %cond3A_465 = arith.constant 0 : i32
      %cond3A_466 = arith.cmpi ne, %convert_element_type3A_464, %cond3A_465 : i32
      scf.if %cond3A_466 {
        %dma_start3A_592 = arith.constant 2 : i32
        %dma_start3A_593 = arith.constant 2 : i32
        %dma_start3A_594 = arith.constant 0 : i32
        %dma_start3A_595 = arith.constant 0 : i32
        %dma_start3A_596 = tpu.memref_slice %arg9[%dma_start3A_592, %dma_start3A_594, %dma_start3A_595] : memref<8x128x64xf32, #tpu.memory_space<vmem>> -> memref<1x128x64xf32, #tpu.memory_space<vmem>>
        %dma_start3A_597 = tpu.memref_squeeze %dma_start3A_596 : memref<1x128x64xf32, #tpu.memory_space<vmem>> -> memref<128x64xf32, #tpu.memory_space<vmem>>
        %dma_start3A_598 = arith.constant 0 : i32
        %dma_start3A_599 = tpu.memref_slice %arg7[%add3A_461, %dma_start3A_598] : memref<80x128xi32, #tpu.memory_space<vmem>> -> memref<1x128xi32, #tpu.memory_space<vmem>>
        %dma_start3A_600 = tpu.memref_squeeze %dma_start3A_599 : memref<1x128xi32, #tpu.memory_space<vmem>> -> memref<128xi32, #tpu.memory_space<vmem>>
        %dma_start3A_601 = arith.constant 0 : i32
        %dma_start3A_602 = arith.constant 0 : i32
        %dma_start3A_603 = tpu.memref_slice %arg4[%dma_start3A_601, %dma_start3A_602] : memref<10000x64xf32, #tpu.memory_space<hbm>> -> memref<10000x64xf32, #tpu.memory_space<hbm>>
        %dma_start3A_604 = tpu.memref_slice %arg11[%dma_start3A_593] : memref<8x!tpu.dma_semaphore, #tpu.memory_space<semaphore_mem>> -> memref<1x!tpu.dma_semaphore, #tpu.memory_space<semaphore_mem>>
        %dma_start3A_605 = tpu.memref_squeeze %dma_start3A_604 : memref<1x!tpu.dma_semaphore, #tpu.memory_space<semaphore_mem>> -> memref<!tpu.dma_semaphore, #tpu.memory_space<semaphore_mem>>
        tpu.enqueue_indirect_dma source(%dma_start3A_603 : memref<10000x64xf32, #tpu.memory_space<hbm>>) target(%dma_start3A_597 : memref<128x64xf32, #tpu.memory_space<vmem>>) offsets(%dma_start3A_600 : memref<128xi32, #tpu.memory_space<vmem>>) semaphore(%dma_start3A_605 : memref<!tpu.dma_semaphore, #tpu.memory_space<semaphore_mem>>)
      } else {
      }
      %add3A_467 = arith.constant 3 : i32
      %add3A_468 = arith.addi %mul3A_139, %add3A_467 : i32
      %dma_wait3A_469 = arith.constant 3 : i32
      %dma_wait3A_470 = arith.constant 3 : i32
      %dma_wait3A_471 = arith.constant 0 : i32
      %dma_wait3A_472 = arith.constant 0 : i32
      %dma_wait3A_473 = tpu.memref_slice %arg9[%dma_wait3A_469, %dma_wait3A_471, %dma_wait3A_472] : memref<8x128x64xf32, #tpu.memory_space<vmem>> -> memref<1x128x64xf32, #tpu.memory_space<vmem>>
      %dma_wait3A_474 = tpu.memref_squeeze %dma_wait3A_473 : memref<1x128x64xf32, #tpu.memory_space<vmem>> -> memref<128x64xf32, #tpu.memory_space<vmem>>
      %dma_wait3A_475 = arith.constant 0 : i32
      %dma_wait3A_476 = tpu.memref_slice %arg8[%add3A_468, %dma_wait3A_475] : memref<80x128xi32, #tpu.memory_space<vmem>> -> memref<1x128xi32, #tpu.memory_space<vmem>>
      %dma_wait3A_477 = tpu.memref_squeeze %dma_wait3A_476 : memref<1x128xi32, #tpu.memory_space<vmem>> -> memref<128xi32, #tpu.memory_space<vmem>>
      %dma_wait3A_478 = arith.constant 0 : i32
      %dma_wait3A_479 = arith.constant 0 : i32
      %dma_wait3A_480 = tpu.memref_slice %arg10[%dma_wait3A_478, %dma_wait3A_479] : memref<10240x64xf32, #tpu.memory_space<vmem_shared>> -> memref<10240x64xf32, #tpu.memory_space<vmem_shared>>
      %dma_wait3A_481 = tpu.memref_slice %arg12[%dma_wait3A_470] : memref<8x!tpu.dma_semaphore, #tpu.memory_space<semaphore_mem>> -> memref<1x!tpu.dma_semaphore, #tpu.memory_space<semaphore_mem>>
      %dma_wait3A_482 = tpu.memref_squeeze %dma_wait3A_481 : memref<1x!tpu.dma_semaphore, #tpu.memory_space<semaphore_mem>> -> memref<!tpu.dma_semaphore, #tpu.memory_space<semaphore_mem>>
      tpu.wait_indirect_dma semaphore(%dma_wait3A_482 : memref<!tpu.dma_semaphore, #tpu.memory_space<semaphore_mem>>) src(%dma_wait3A_474 : memref<128x64xf32, #tpu.memory_space<vmem>>) dst(%dma_wait3A_480 : memref<10240x64xf32, #tpu.memory_space<vmem_shared>>)
      %add3A_483 = arith.constant 8 : i32
      %add3A_484 = arith.addi %mul3A_139, %add3A_483 : i32
      %add3A_485 = arith.constant 3 : i32
      %add3A_486 = arith.addi %add3A_484, %add3A_485 : i32
      %lt3A_487 = arith.constant 80 : i32
      %lt3A_488 = arith.cmpi slt, %add3A_486, %lt3A_487 : i32
      %convert_element_type3A_489 = arith.extui %lt3A_488 : i1 to i32
      %cond3A_490 = arith.constant 0 : i32
      %cond3A_491 = arith.cmpi ne, %convert_element_type3A_489, %cond3A_490 : i32
      scf.if %cond3A_491 {
        %dma_start3A_592 = arith.constant 3 : i32
        %dma_start3A_593 = arith.constant 3 : i32
        %dma_start3A_594 = arith.constant 0 : i32
        %dma_start3A_595 = arith.constant 0 : i32
        %dma_start3A_596 = tpu.memref_slice %arg9[%dma_start3A_592, %dma_start3A_594, %dma_start3A_595] : memref<8x128x64xf32, #tpu.memory_space<vmem>> -> memref<1x128x64xf32, #tpu.memory_space<vmem>>
        %dma_start3A_597 = tpu.memref_squeeze %dma_start3A_596 : memref<1x128x64xf32, #tpu.memory_space<vmem>> -> memref<128x64xf32, #tpu.memory_space<vmem>>
        %dma_start3A_598 = arith.constant 0 : i32
        %dma_start3A_599 = tpu.memref_slice %arg7[%add3A_486, %dma_start3A_598] : memref<80x128xi32, #tpu.memory_space<vmem>> -> memref<1x128xi32, #tpu.memory_space<vmem>>
        %dma_start3A_600 = tpu.memref_squeeze %dma_start3A_599 : memref<1x128xi32, #tpu.memory_space<vmem>> -> memref<128xi32, #tpu.memory_space<vmem>>
        %dma_start3A_601 = arith.constant 0 : i32
        %dma_start3A_602 = arith.constant 0 : i32
        %dma_start3A_603 = tpu.memref_slice %arg4[%dma_start3A_601, %dma_start3A_602] : memref<10000x64xf32, #tpu.memory_space<hbm>> -> memref<10000x64xf32, #tpu.memory_space<hbm>>
        %dma_start3A_604 = tpu.memref_slice %arg11[%dma_start3A_593] : memref<8x!tpu.dma_semaphore, #tpu.memory_space<semaphore_mem>> -> memref<1x!tpu.dma_semaphore, #tpu.memory_space<semaphore_mem>>
        %dma_start3A_605 = tpu.memref_squeeze %dma_start3A_604 : memref<1x!tpu.dma_semaphore, #tpu.memory_space<semaphore_mem>> -> memref<!tpu.dma_semaphore, #tpu.memory_space<semaphore_mem>>
        tpu.enqueue_indirect_dma source(%dma_start3A_603 : memref<10000x64xf32, #tpu.memory_space<hbm>>) target(%dma_start3A_597 : memref<128x64xf32, #tpu.memory_space<vmem>>) offsets(%dma_start3A_600 : memref<128xi32, #tpu.memory_space<vmem>>) semaphore(%dma_start3A_605 : memref<!tpu.dma_semaphore, #tpu.memory_space<semaphore_mem>>)
      } else {
      }
      %add3A_492 = arith.constant 4 : i32
      %add3A_493 = arith.addi %mul3A_139, %add3A_492 : i32
      %dma_wait3A_494 = arith.constant 4 : i32
      %dma_wait3A_495 = arith.constant 4 : i32
      %dma_wait3A_496 = arith.constant 0 : i32
      %dma_wait3A_497 = arith.constant 0 : i32
      %dma_wait3A_498 = tpu.memref_slice %arg9[%dma_wait3A_494, %dma_wait3A_496, %dma_wait3A_497] : memref<8x128x64xf32, #tpu.memory_space<vmem>> -> memref<1x128x64xf32, #tpu.memory_space<vmem>>
      %dma_wait3A_499 = tpu.memref_squeeze %dma_wait3A_498 : memref<1x128x64xf32, #tpu.memory_space<vmem>> -> memref<128x64xf32, #tpu.memory_space<vmem>>
      %dma_wait3A_500 = arith.constant 0 : i32
      %dma_wait3A_501 = tpu.memref_slice %arg8[%add3A_493, %dma_wait3A_500] : memref<80x128xi32, #tpu.memory_space<vmem>> -> memref<1x128xi32, #tpu.memory_space<vmem>>
      %dma_wait3A_502 = tpu.memref_squeeze %dma_wait3A_501 : memref<1x128xi32, #tpu.memory_space<vmem>> -> memref<128xi32, #tpu.memory_space<vmem>>
      %dma_wait3A_503 = arith.constant 0 : i32
      %dma_wait3A_504 = arith.constant 0 : i32
      %dma_wait3A_505 = tpu.memref_slice %arg10[%dma_wait3A_503, %dma_wait3A_504] : memref<10240x64xf32, #tpu.memory_space<vmem_shared>> -> memref<10240x64xf32, #tpu.memory_space<vmem_shared>>
      %dma_wait3A_506 = tpu.memref_slice %arg12[%dma_wait3A_495] : memref<8x!tpu.dma_semaphore, #tpu.memory_space<semaphore_mem>> -> memref<1x!tpu.dma_semaphore, #tpu.memory_space<semaphore_mem>>
      %dma_wait3A_507 = tpu.memref_squeeze %dma_wait3A_506 : memref<1x!tpu.dma_semaphore, #tpu.memory_space<semaphore_mem>> -> memref<!tpu.dma_semaphore, #tpu.memory_space<semaphore_mem>>
      tpu.wait_indirect_dma semaphore(%dma_wait3A_507 : memref<!tpu.dma_semaphore, #tpu.memory_space<semaphore_mem>>) src(%dma_wait3A_499 : memref<128x64xf32, #tpu.memory_space<vmem>>) dst(%dma_wait3A_505 : memref<10240x64xf32, #tpu.memory_space<vmem_shared>>)
      %add3A_508 = arith.constant 8 : i32
      %add3A_509 = arith.addi %mul3A_139, %add3A_508 : i32
      %add3A_510 = arith.constant 4 : i32
      %add3A_511 = arith.addi %add3A_509, %add3A_510 : i32
      %lt3A_512 = arith.constant 80 : i32
      %lt3A_513 = arith.cmpi slt, %add3A_511, %lt3A_512 : i32
      %convert_element_type3A_514 = arith.extui %lt3A_513 : i1 to i32
      %cond3A_515 = arith.constant 0 : i32
      %cond3A_516 = arith.cmpi ne, %convert_element_type3A_514, %cond3A_515 : i32
      scf.if %cond3A_516 {
        %dma_start3A_592 = arith.constant 4 : i32
        %dma_start3A_593 = arith.constant 4 : i32
        %dma_start3A_594 = arith.constant 0 : i32
        %dma_start3A_595 = arith.constant 0 : i32
        %dma_start3A_596 = tpu.memref_slice %arg9[%dma_start3A_592, %dma_start3A_594, %dma_start3A_595] : memref<8x128x64xf32, #tpu.memory_space<vmem>> -> memref<1x128x64xf32, #tpu.memory_space<vmem>>
        %dma_start3A_597 = tpu.memref_squeeze %dma_start3A_596 : memref<1x128x64xf32, #tpu.memory_space<vmem>> -> memref<128x64xf32, #tpu.memory_space<vmem>>
        %dma_start3A_598 = arith.constant 0 : i32
        %dma_start3A_599 = tpu.memref_slice %arg7[%add3A_511, %dma_start3A_598] : memref<80x128xi32, #tpu.memory_space<vmem>> -> memref<1x128xi32, #tpu.memory_space<vmem>>
        %dma_start3A_600 = tpu.memref_squeeze %dma_start3A_599 : memref<1x128xi32, #tpu.memory_space<vmem>> -> memref<128xi32, #tpu.memory_space<vmem>>
        %dma_start3A_601 = arith.constant 0 : i32
        %dma_start3A_602 = arith.constant 0 : i32
        %dma_start3A_603 = tpu.memref_slice %arg4[%dma_start3A_601, %dma_start3A_602] : memref<10000x64xf32, #tpu.memory_space<hbm>> -> memref<10000x64xf32, #tpu.memory_space<hbm>>
        %dma_start3A_604 = tpu.memref_slice %arg11[%dma_start3A_593] : memref<8x!tpu.dma_semaphore, #tpu.memory_space<semaphore_mem>> -> memref<1x!tpu.dma_semaphore, #tpu.memory_space<semaphore_mem>>
        %dma_start3A_605 = tpu.memref_squeeze %dma_start3A_604 : memref<1x!tpu.dma_semaphore, #tpu.memory_space<semaphore_mem>> -> memref<!tpu.dma_semaphore, #tpu.memory_space<semaphore_mem>>
        tpu.enqueue_indirect_dma source(%dma_start3A_603 : memref<10000x64xf32, #tpu.memory_space<hbm>>) target(%dma_start3A_597 : memref<128x64xf32, #tpu.memory_space<vmem>>) offsets(%dma_start3A_600 : memref<128xi32, #tpu.memory_space<vmem>>) semaphore(%dma_start3A_605 : memref<!tpu.dma_semaphore, #tpu.memory_space<semaphore_mem>>)
      } else {
      }
      %add3A_517 = arith.constant 5 : i32
      %add3A_518 = arith.addi %mul3A_139, %add3A_517 : i32
      %dma_wait3A_519 = arith.constant 5 : i32
      %dma_wait3A_520 = arith.constant 5 : i32
      %dma_wait3A_521 = arith.constant 0 : i32
      %dma_wait3A_522 = arith.constant 0 : i32
      %dma_wait3A_523 = tpu.memref_slice %arg9[%dma_wait3A_519, %dma_wait3A_521, %dma_wait3A_522] : memref<8x128x64xf32, #tpu.memory_space<vmem>> -> memref<1x128x64xf32, #tpu.memory_space<vmem>>
      %dma_wait3A_524 = tpu.memref_squeeze %dma_wait3A_523 : memref<1x128x64xf32, #tpu.memory_space<vmem>> -> memref<128x64xf32, #tpu.memory_space<vmem>>
      %dma_wait3A_525 = arith.constant 0 : i32
      %dma_wait3A_526 = tpu.memref_slice %arg8[%add3A_518, %dma_wait3A_525] : memref<80x128xi32, #tpu.memory_space<vmem>> -> memref<1x128xi32, #tpu.memory_space<vmem>>
      %dma_wait3A_527 = tpu.memref_squeeze %dma_wait3A_526 : memref<1x128xi32, #tpu.memory_space<vmem>> -> memref<128xi32, #tpu.memory_space<vmem>>
      %dma_wait3A_528 = arith.constant 0 : i32
      %dma_wait3A_529 = arith.constant 0 : i32
      %dma_wait3A_530 = tpu.memref_slice %arg10[%dma_wait3A_528, %dma_wait3A_529] : memref<10240x64xf32, #tpu.memory_space<vmem_shared>> -> memref<10240x64xf32, #tpu.memory_space<vmem_shared>>
      %dma_wait3A_531 = tpu.memref_slice %arg12[%dma_wait3A_520] : memref<8x!tpu.dma_semaphore, #tpu.memory_space<semaphore_mem>> -> memref<1x!tpu.dma_semaphore, #tpu.memory_space<semaphore_mem>>
      %dma_wait3A_532 = tpu.memref_squeeze %dma_wait3A_531 : memref<1x!tpu.dma_semaphore, #tpu.memory_space<semaphore_mem>> -> memref<!tpu.dma_semaphore, #tpu.memory_space<semaphore_mem>>
      tpu.wait_indirect_dma semaphore(%dma_wait3A_532 : memref<!tpu.dma_semaphore, #tpu.memory_space<semaphore_mem>>) src(%dma_wait3A_524 : memref<128x64xf32, #tpu.memory_space<vmem>>) dst(%dma_wait3A_530 : memref<10240x64xf32, #tpu.memory_space<vmem_shared>>)
      %add3A_533 = arith.constant 8 : i32
      %add3A_534 = arith.addi %mul3A_139, %add3A_533 : i32
      %add3A_535 = arith.constant 5 : i32
      %add3A_536 = arith.addi %add3A_534, %add3A_535 : i32
      %lt3A_537 = arith.constant 80 : i32
      %lt3A_538 = arith.cmpi slt, %add3A_536, %lt3A_537 : i32
      %convert_element_type3A_539 = arith.extui %lt3A_538 : i1 to i32
      %cond3A_540 = arith.constant 0 : i32
      %cond3A_541 = arith.cmpi ne, %convert_element_type3A_539, %cond3A_540 : i32
      scf.if %cond3A_541 {
        %dma_start3A_592 = arith.constant 5 : i32
        %dma_start3A_593 = arith.constant 5 : i32
        %dma_start3A_594 = arith.constant 0 : i32
        %dma_start3A_595 = arith.constant 0 : i32
        %dma_start3A_596 = tpu.memref_slice %arg9[%dma_start3A_592, %dma_start3A_594, %dma_start3A_595] : memref<8x128x64xf32, #tpu.memory_space<vmem>> -> memref<1x128x64xf32, #tpu.memory_space<vmem>>
        %dma_start3A_597 = tpu.memref_squeeze %dma_start3A_596 : memref<1x128x64xf32, #tpu.memory_space<vmem>> -> memref<128x64xf32, #tpu.memory_space<vmem>>
        %dma_start3A_598 = arith.constant 0 : i32
        %dma_start3A_599 = tpu.memref_slice %arg7[%add3A_536, %dma_start3A_598] : memref<80x128xi32, #tpu.memory_space<vmem>> -> memref<1x128xi32, #tpu.memory_space<vmem>>
        %dma_start3A_600 = tpu.memref_squeeze %dma_start3A_599 : memref<1x128xi32, #tpu.memory_space<vmem>> -> memref<128xi32, #tpu.memory_space<vmem>>
        %dma_start3A_601 = arith.constant 0 : i32
        %dma_start3A_602 = arith.constant 0 : i32
        %dma_start3A_603 = tpu.memref_slice %arg4[%dma_start3A_601, %dma_start3A_602] : memref<10000x64xf32, #tpu.memory_space<hbm>> -> memref<10000x64xf32, #tpu.memory_space<hbm>>
        %dma_start3A_604 = tpu.memref_slice %arg11[%dma_start3A_593] : memref<8x!tpu.dma_semaphore, #tpu.memory_space<semaphore_mem>> -> memref<1x!tpu.dma_semaphore, #tpu.memory_space<semaphore_mem>>
        %dma_start3A_605 = tpu.memref_squeeze %dma_start3A_604 : memref<1x!tpu.dma_semaphore, #tpu.memory_space<semaphore_mem>> -> memref<!tpu.dma_semaphore, #tpu.memory_space<semaphore_mem>>
        tpu.enqueue_indirect_dma source(%dma_start3A_603 : memref<10000x64xf32, #tpu.memory_space<hbm>>) target(%dma_start3A_597 : memref<128x64xf32, #tpu.memory_space<vmem>>) offsets(%dma_start3A_600 : memref<128xi32, #tpu.memory_space<vmem>>) semaphore(%dma_start3A_605 : memref<!tpu.dma_semaphore, #tpu.memory_space<semaphore_mem>>)
      } else {
      }
      %add3A_542 = arith.constant 6 : i32
      %add3A_543 = arith.addi %mul3A_139, %add3A_542 : i32
      %dma_wait3A_544 = arith.constant 6 : i32
      %dma_wait3A_545 = arith.constant 6 : i32
      %dma_wait3A_546 = arith.constant 0 : i32
      %dma_wait3A_547 = arith.constant 0 : i32
      %dma_wait3A_548 = tpu.memref_slice %arg9[%dma_wait3A_544, %dma_wait3A_546, %dma_wait3A_547] : memref<8x128x64xf32, #tpu.memory_space<vmem>> -> memref<1x128x64xf32, #tpu.memory_space<vmem>>
      %dma_wait3A_549 = tpu.memref_squeeze %dma_wait3A_548 : memref<1x128x64xf32, #tpu.memory_space<vmem>> -> memref<128x64xf32, #tpu.memory_space<vmem>>
      %dma_wait3A_550 = arith.constant 0 : i32
      %dma_wait3A_551 = tpu.memref_slice %arg8[%add3A_543, %dma_wait3A_550] : memref<80x128xi32, #tpu.memory_space<vmem>> -> memref<1x128xi32, #tpu.memory_space<vmem>>
      %dma_wait3A_552 = tpu.memref_squeeze %dma_wait3A_551 : memref<1x128xi32, #tpu.memory_space<vmem>> -> memref<128xi32, #tpu.memory_space<vmem>>
      %dma_wait3A_553 = arith.constant 0 : i32
      %dma_wait3A_554 = arith.constant 0 : i32
      %dma_wait3A_555 = tpu.memref_slice %arg10[%dma_wait3A_553, %dma_wait3A_554] : memref<10240x64xf32, #tpu.memory_space<vmem_shared>> -> memref<10240x64xf32, #tpu.memory_space<vmem_shared>>
      %dma_wait3A_556 = tpu.memref_slice %arg12[%dma_wait3A_545] : memref<8x!tpu.dma_semaphore, #tpu.memory_space<semaphore_mem>> -> memref<1x!tpu.dma_semaphore, #tpu.memory_space<semaphore_mem>>
      %dma_wait3A_557 = tpu.memref_squeeze %dma_wait3A_556 : memref<1x!tpu.dma_semaphore, #tpu.memory_space<semaphore_mem>> -> memref<!tpu.dma_semaphore, #tpu.memory_space<semaphore_mem>>
      tpu.wait_indirect_dma semaphore(%dma_wait3A_557 : memref<!tpu.dma_semaphore, #tpu.memory_space<semaphore_mem>>) src(%dma_wait3A_549 : memref<128x64xf32, #tpu.memory_space<vmem>>) dst(%dma_wait3A_555 : memref<10240x64xf32, #tpu.memory_space<vmem_shared>>)
      %add3A_558 = arith.constant 8 : i32
      %add3A_559 = arith.addi %mul3A_139, %add3A_558 : i32
      %add3A_560 = arith.constant 6 : i32
      %add3A_561 = arith.addi %add3A_559, %add3A_560 : i32
      %lt3A_562 = arith.constant 80 : i32
      %lt3A_563 = arith.cmpi slt, %add3A_561, %lt3A_562 : i32
      %convert_element_type3A_564 = arith.extui %lt3A_563 : i1 to i32
      %cond3A_565 = arith.constant 0 : i32
      %cond3A_566 = arith.cmpi ne, %convert_element_type3A_564, %cond3A_565 : i32
      scf.if %cond3A_566 {
        %dma_start3A_592 = arith.constant 6 : i32
        %dma_start3A_593 = arith.constant 6 : i32
        %dma_start3A_594 = arith.constant 0 : i32
        %dma_start3A_595 = arith.constant 0 : i32
        %dma_start3A_596 = tpu.memref_slice %arg9[%dma_start3A_592, %dma_start3A_594, %dma_start3A_595] : memref<8x128x64xf32, #tpu.memory_space<vmem>> -> memref<1x128x64xf32, #tpu.memory_space<vmem>>
        %dma_start3A_597 = tpu.memref_squeeze %dma_start3A_596 : memref<1x128x64xf32, #tpu.memory_space<vmem>> -> memref<128x64xf32, #tpu.memory_space<vmem>>
        %dma_start3A_598 = arith.constant 0 : i32
        %dma_start3A_599 = tpu.memref_slice %arg7[%add3A_561, %dma_start3A_598] : memref<80x128xi32, #tpu.memory_space<vmem>> -> memref<1x128xi32, #tpu.memory_space<vmem>>
        %dma_start3A_600 = tpu.memref_squeeze %dma_start3A_599 : memref<1x128xi32, #tpu.memory_space<vmem>> -> memref<128xi32, #tpu.memory_space<vmem>>
        %dma_start3A_601 = arith.constant 0 : i32
        %dma_start3A_602 = arith.constant 0 : i32
        %dma_start3A_603 = tpu.memref_slice %arg4[%dma_start3A_601, %dma_start3A_602] : memref<10000x64xf32, #tpu.memory_space<hbm>> -> memref<10000x64xf32, #tpu.memory_space<hbm>>
        %dma_start3A_604 = tpu.memref_slice %arg11[%dma_start3A_593] : memref<8x!tpu.dma_semaphore, #tpu.memory_space<semaphore_mem>> -> memref<1x!tpu.dma_semaphore, #tpu.memory_space<semaphore_mem>>
        %dma_start3A_605 = tpu.memref_squeeze %dma_start3A_604 : memref<1x!tpu.dma_semaphore, #tpu.memory_space<semaphore_mem>> -> memref<!tpu.dma_semaphore, #tpu.memory_space<semaphore_mem>>
        tpu.enqueue_indirect_dma source(%dma_start3A_603 : memref<10000x64xf32, #tpu.memory_space<hbm>>) target(%dma_start3A_597 : memref<128x64xf32, #tpu.memory_space<vmem>>) offsets(%dma_start3A_600 : memref<128xi32, #tpu.memory_space<vmem>>) semaphore(%dma_start3A_605 : memref<!tpu.dma_semaphore, #tpu.memory_space<semaphore_mem>>)
      } else {
      }
      %add3A_567 = arith.constant 7 : i32
      %add3A_568 = arith.addi %mul3A_139, %add3A_567 : i32
      %dma_wait3A_569 = arith.constant 7 : i32
      %dma_wait3A_570 = arith.constant 7 : i32
      %dma_wait3A_571 = arith.constant 0 : i32
      %dma_wait3A_572 = arith.constant 0 : i32
      %dma_wait3A_573 = tpu.memref_slice %arg9[%dma_wait3A_569, %dma_wait3A_571, %dma_wait3A_572] : memref<8x128x64xf32, #tpu.memory_space<vmem>> -> memref<1x128x64xf32, #tpu.memory_space<vmem>>
      %dma_wait3A_574 = tpu.memref_squeeze %dma_wait3A_573 : memref<1x128x64xf32, #tpu.memory_space<vmem>> -> memref<128x64xf32, #tpu.memory_space<vmem>>
      %dma_wait3A_575 = arith.constant 0 : i32
      %dma_wait3A_576 = tpu.memref_slice %arg8[%add3A_568, %dma_wait3A_575] : memref<80x128xi32, #tpu.memory_space<vmem>> -> memref<1x128xi32, #tpu.memory_space<vmem>>
      %dma_wait3A_577 = tpu.memref_squeeze %dma_wait3A_576 : memref<1x128xi32, #tpu.memory_space<vmem>> -> memref<128xi32, #tpu.memory_space<vmem>>
      %dma_wait3A_578 = arith.constant 0 : i32
      %dma_wait3A_579 = arith.constant 0 : i32
      %dma_wait3A_580 = tpu.memref_slice %arg10[%dma_wait3A_578, %dma_wait3A_579] : memref<10240x64xf32, #tpu.memory_space<vmem_shared>> -> memref<10240x64xf32, #tpu.memory_space<vmem_shared>>
      %dma_wait3A_581 = tpu.memref_slice %arg12[%dma_wait3A_570] : memref<8x!tpu.dma_semaphore, #tpu.memory_space<semaphore_mem>> -> memref<1x!tpu.dma_semaphore, #tpu.memory_space<semaphore_mem>>
      %dma_wait3A_582 = tpu.memref_squeeze %dma_wait3A_581 : memref<1x!tpu.dma_semaphore, #tpu.memory_space<semaphore_mem>> -> memref<!tpu.dma_semaphore, #tpu.memory_space<semaphore_mem>>
      tpu.wait_indirect_dma semaphore(%dma_wait3A_582 : memref<!tpu.dma_semaphore, #tpu.memory_space<semaphore_mem>>) src(%dma_wait3A_574 : memref<128x64xf32, #tpu.memory_space<vmem>>) dst(%dma_wait3A_580 : memref<10240x64xf32, #tpu.memory_space<vmem_shared>>)
      %add3A_583 = arith.constant 8 : i32
      %add3A_584 = arith.addi %mul3A_139, %add3A_583 : i32
      %add3A_585 = arith.constant 7 : i32
      %add3A_586 = arith.addi %add3A_584, %add3A_585 : i32
      %lt3A_587 = arith.constant 80 : i32
      %lt3A_588 = arith.cmpi slt, %add3A_586, %lt3A_587 : i32
      %convert_element_type3A_589 = arith.extui %lt3A_588 : i1 to i32
      %cond3A_590 = arith.constant 0 : i32
      %cond3A_591 = arith.cmpi ne, %convert_element_type3A_589, %cond3A_590 : i32
      scf.if %cond3A_591 {
        %dma_start3A_592 = arith.constant 7 : i32
        %dma_start3A_593 = arith.constant 7 : i32
        %dma_start3A_594 = arith.constant 0 : i32
        %dma_start3A_595 = arith.constant 0 : i32
        %dma_start3A_596 = tpu.memref_slice %arg9[%dma_start3A_592, %dma_start3A_594, %dma_start3A_595] : memref<8x128x64xf32, #tpu.memory_space<vmem>> -> memref<1x128x64xf32, #tpu.memory_space<vmem>>
        %dma_start3A_597 = tpu.memref_squeeze %dma_start3A_596 : memref<1x128x64xf32, #tpu.memory_space<vmem>> -> memref<128x64xf32, #tpu.memory_space<vmem>>
        %dma_start3A_598 = arith.constant 0 : i32
        %dma_start3A_599 = tpu.memref_slice %arg7[%add3A_586, %dma_start3A_598] : memref<80x128xi32, #tpu.memory_space<vmem>> -> memref<1x128xi32, #tpu.memory_space<vmem>>
        %dma_start3A_600 = tpu.memref_squeeze %dma_start3A_599 : memref<1x128xi32, #tpu.memory_space<vmem>> -> memref<128xi32, #tpu.memory_space<vmem>>
        %dma_start3A_601 = arith.constant 0 : i32
        %dma_start3A_602 = arith.constant 0 : i32
        %dma_start3A_603 = tpu.memref_slice %arg4[%dma_start3A_601, %dma_start3A_602] : memref<10000x64xf32, #tpu.memory_space<hbm>> -> memref<10000x64xf32, #tpu.memory_space<hbm>>
        %dma_start3A_604 = tpu.memref_slice %arg11[%dma_start3A_593] : memref<8x!tpu.dma_semaphore, #tpu.memory_space<semaphore_mem>> -> memref<1x!tpu.dma_semaphore, #tpu.memory_space<semaphore_mem>>
        %dma_start3A_605 = tpu.memref_squeeze %dma_start3A_604 : memref<1x!tpu.dma_semaphore, #tpu.memory_space<semaphore_mem>> -> memref<!tpu.dma_semaphore, #tpu.memory_space<semaphore_mem>>
        tpu.enqueue_indirect_dma source(%dma_start3A_603 : memref<10000x64xf32, #tpu.memory_space<hbm>>) target(%dma_start3A_597 : memref<128x64xf32, #tpu.memory_space<vmem>>) offsets(%dma_start3A_600 : memref<128xi32, #tpu.memory_space<vmem>>) semaphore(%dma_start3A_605 : memref<!tpu.dma_semaphore, #tpu.memory_space<semaphore_mem>>)
      } else {
      }
    }
    %scan3A_128 = arith.constant 10 : i32
    %barrier3A_129 = arith.constant 0 : index
    tpu.barrier barrier_id(%barrier3A_129)
    %mul3A_130 = arith.constant 640 : i32
    %mul3A_131 = arith.muli %arg1, %mul3A_130 : i32
    %mul3A_132 = arith.constant 10240 : i32
    %mul3A_133 = arith.muli %arg0, %mul3A_132 : i32
    %mul3A_134 = arith.constant 640 : i32
    %mul3A_135 = arith.muli %arg1, %mul3A_134 : i32
    %add3A_136 = arith.addi %mul3A_133, %mul3A_135 : i32
    "tpu.region"() ({
      %run_scoped3A = tpu.sem_alloc : memref<!tpu.dma_semaphore, #tpu.memory_space<semaphore_mem>>
      %dma_start3A_137 = arith.constant 0 : i32
      %dma_start3A_138 = tpu.memref_slice %arg6[%add3A_136, %dma_start3A_137] : memref<20480x64xf32, #tpu.memory_space<hbm>> -> memref<640x64xf32, #tpu.memory_space<hbm>>
      %dma_start3A_139 = arith.constant 0 : i32
      %dma_start3A_140 = tpu.memref_slice %arg10[%mul3A_131, %dma_start3A_139] : memref<10240x64xf32, #tpu.memory_space<vmem_shared>> -> memref<640x64xf32, #tpu.memory_space<vmem_shared>>
      tpu.enqueue_dma source(%dma_start3A_140 : memref<640x64xf32, #tpu.memory_space<vmem_shared>>) target(%dma_start3A_138 : memref<640x64xf32, #tpu.memory_space<hbm>>) target_semaphore(%run_scoped3A : memref<!tpu.dma_semaphore, #tpu.memory_space<semaphore_mem>>)
      %dma_wait3A = arith.constant 0 : i32
      %dma_wait3A_141 = tpu.memref_slice %arg6[%add3A_136, %dma_wait3A] : memref<20480x64xf32, #tpu.memory_space<hbm>> -> memref<640x64xf32, #tpu.memory_space<hbm>>
      %dma_wait3A_142 = arith.constant 0 : i32
      %dma_wait3A_143 = tpu.memref_slice %arg10[%mul3A_131, %dma_wait3A_142] : memref<10240x64xf32, #tpu.memory_space<vmem_shared>> -> memref<640x64xf32, #tpu.memory_space<vmem_shared>>
      tpu.wait_dma2 semaphore(%run_scoped3A : memref<!tpu.dma_semaphore, #tpu.memory_space<semaphore_mem>>) src(%dma_wait3A_143 : memref<640x64xf32, #tpu.memory_space<vmem_shared>>) dst(%dma_wait3A_141 : memref<640x64xf32, #tpu.memory_space<hbm>>)
      tpu.yield
    }) : () -> ()
    return
  }
}

module attributes {stable_mosaic.version = 14 : i64} {
  func.func @_matmul_body(%arg0: memref<10000x128xf32, #tpu.memory_space<vmem>>, %arg1: memref<128x64xf32, #tpu.memory_space<vmem>>, %arg2: memref<10000x64xf32, #tpu.memory_space<vmem>>) attributes {dimension_semantics = [], scalar_prefetch = 0 : i64, scratch_operands = 0 : i64, tpu.core_type = #tpu.core_type<tc>} {
    %get3A = arith.constant 0 : index
    %get3A_0 = arith.constant 0 : index
    %get3A_1 = vector.load %arg0[%get3A, %get3A_0] : memref<10000x128xf32, #tpu.memory_space<vmem>>, vector<10000x128xf32>
    %get3A_2 = arith.constant 0 : index
    %get3A_3 = arith.constant 0 : index
    %get3A_4 = vector.load %arg1[%get3A_2, %get3A_3] : memref<128x64xf32, #tpu.memory_space<vmem>>, vector<128x64xf32>
    %dot_general3A = arith.constant dense<0.000000e+00> : vector<10000x64xf32>
    %dot_general3A_5 = tpu.matmul %get3A_1, %get3A_4, %dot_general3A {dimension_numbers = #tpu.dot_dimension_numbers<[1], [0], [0], [1], [0, 0, 1, 1], [], []>, transpose_lhs_hint = false} : vector<10000x128xf32>, vector<128x64xf32>, vector<10000x64xf32> -> vector<10000x64xf32>
    %swap3A = arith.constant 0 : index
    %swap3A_6 = arith.constant 0 : index
    %swap3A_7 = vector.load %arg2[%swap3A, %swap3A_6] : memref<10000x64xf32, #tpu.memory_space<vmem>>, vector<10000x64xf32>
    tpu.vector_store %arg2[%swap3A, %swap3A_6], %dot_general3A_5 {strides = array<i32>} : memref<10000x64xf32, #tpu.memory_space<vmem>>, vector<10000x64xf32>,
    return
  }
}

module attributes {stable_mosaic.version = 14 : i64} {
  func.func @_scale_body(%arg0: memref<2x10240x1xf32, #tpu.memory_space<vmem>>, %arg1: memref<10000x64xf32, #tpu.memory_space<vmem>>, %arg2: memref<10000x64xf32, #tpu.memory_space<vmem>>, %arg3: memref<10000x1xf32, #tpu.memory_space<vmem>>) attributes {dimension_semantics = [], scalar_prefetch = 0 : i64, scratch_operands = 0 : i64, tpu.core_type = #tpu.core_type<tc>} {
    %get3A = arith.constant 0 : index
    %get3A_0 = arith.constant 0 : index
    %get3A_1 = arith.constant 0 : index
    %get3A_2 = vector.load %arg0[%get3A, %get3A_0, %get3A_1] : memref<2x10240x1xf32, #tpu.memory_space<vmem>>, vector<1x10000x1xf32>
    %get3A_3 = vector.shape_cast %get3A_2 : vector<1x10000x1xf32> to vector<10000x1xf32>
    %get3A_4 = arith.constant 1 : index
    %get3A_5 = arith.constant 0 : index
    %get3A_6 = arith.constant 0 : index
    %get3A_7 = vector.load %arg0[%get3A_4, %get3A_5, %get3A_6] : memref<2x10240x1xf32, #tpu.memory_space<vmem>>, vector<1x10000x1xf32>
    %get3A_8 = vector.shape_cast %get3A_7 : vector<1x10000x1xf32> to vector<10000x1xf32>
    %add3A = arith.addf %get3A_3, %get3A_8 : vector<10000x1xf32>
    %add3A_9 = arith.constant 1.000000e+00 : f32
    %add3A_10 = vector.broadcast %add3A_9 : f32 to vector<10000x1xf32>
    %add3A_11 = arith.addf %add3A, %add3A_10 : vector<10000x1xf32>
    %rsqrt3A = math.rsqrt %add3A_11 : vector<10000x1xf32>
    %swap3A = arith.constant 0 : index
    %swap3A_12 = arith.constant 0 : index
    %swap3A_13 = vector.load %arg3[%swap3A, %swap3A_12] : memref<10000x1xf32, #tpu.memory_space<vmem>>, vector<10000x1xf32>
    tpu.vector_store %arg3[%swap3A, %swap3A_12], %rsqrt3A {strides = array<i32>} : memref<10000x1xf32, #tpu.memory_space<vmem>>, vector<10000x1xf32>,
    %get3A_14 = arith.constant 0 : index
    %get3A_15 = arith.constant 0 : index
    %get3A_16 = vector.load %arg1[%get3A_14, %get3A_15] : memref<10000x64xf32, #tpu.memory_space<vmem>>, vector<10000x64xf32>
    %mul3A = vector.broadcast %rsqrt3A : vector<10000x1xf32> to vector<10000x64xf32>
    %mul3A_17 = arith.mulf %get3A_16, %mul3A : vector<10000x64xf32>
    %swap3A_18 = arith.constant 0 : index
    %swap3A_19 = arith.constant 0 : index
    %swap3A_20 = vector.load %arg2[%swap3A_18, %swap3A_19] : memref<10000x64xf32, #tpu.memory_space<vmem>>, vector<10000x64xf32>
    tpu.vector_store %arg2[%swap3A_18, %swap3A_19], %mul3A_17 {strides = array<i32>} : memref<10000x64xf32, #tpu.memory_space<vmem>>, vector<10000x64xf32>,
    return
  }
}

module attributes {stable_mosaic.version = 14 : i64} {
  func.func @_final_body(%arg0: memref<2x10240x64xf32, #tpu.memory_space<vmem>>, %arg1: memref<10000x64xf32, #tpu.memory_space<vmem>>, %arg2: memref<10000x1xf32, #tpu.memory_space<vmem>>, %arg3: memref<1x64xf32, #tpu.memory_space<vmem>>, %arg4: memref<1x64xf32, #tpu.memory_space<vmem>>, %arg5: memref<1x1xf32, #tpu.memory_space<vmem>>, %arg6: memref<1x1xf32, #tpu.memory_space<vmem>>) attributes {dimension_semantics = [], scalar_prefetch = 0 : i64, scratch_operands = 0 : i64, tpu.core_type = #tpu.core_type<tc>} {
    %get3A = arith.constant 0 : index
    %get3A_0 = arith.constant 0 : index
    %get3A_1 = arith.constant 0 : index
    %get3A_2 = vector.load %arg0[%get3A, %get3A_0, %get3A_1] : memref<2x10240x64xf32, #tpu.memory_space<vmem>>, vector<1x10000x64xf32>
    %get3A_3 = vector.shape_cast %get3A_2 : vector<1x10000x64xf32> to vector<10000x64xf32>
    %get3A_4 = arith.constant 1 : index
    %get3A_5 = arith.constant 0 : index
    %get3A_6 = arith.constant 0 : index
    %get3A_7 = vector.load %arg0[%get3A_4, %get3A_5, %get3A_6] : memref<2x10240x64xf32, #tpu.memory_space<vmem>>, vector<1x10000x64xf32>
    %get3A_8 = vector.shape_cast %get3A_7 : vector<1x10000x64xf32> to vector<10000x64xf32>
    %add3A = arith.addf %get3A_3, %get3A_8 : vector<10000x64xf32>
    %get3A_9 = arith.constant 0 : index
    %get3A_10 = arith.constant 0 : index
    %get3A_11 = vector.load %arg1[%get3A_9, %get3A_10] : memref<10000x64xf32, #tpu.memory_space<vmem>>, vector<10000x64xf32>
    %add3A_12 = arith.addf %add3A, %get3A_11 : vector<10000x64xf32>
    %get3A_13 = arith.constant 0 : index
    %get3A_14 = arith.constant 0 : index
    %get3A_15 = vector.load %arg2[%get3A_13, %get3A_14] : memref<10000x1xf32, #tpu.memory_space<vmem>>, vector<10000x1xf32>
    %mul3A = vector.broadcast %get3A_15 : vector<10000x1xf32> to vector<10000x64xf32>
    %mul3A_16 = arith.mulf %add3A_12, %mul3A : vector<10000x64xf32>
    %get3A_17 = arith.constant 0 : index
    %get3A_18 = arith.constant 0 : index
    %get3A_19 = vector.load %arg3[%get3A_17, %get3A_18] : memref<1x64xf32, #tpu.memory_space<vmem>>, vector<1x64xf32>
    %add3A_20 = vector.broadcast %get3A_19 : vector<1x64xf32> to vector<10000x64xf32>
    %add3A_21 = arith.addf %mul3A_16, %add3A_20 : vector<10000x64xf32>
    %max3A = arith.constant 0.000000e+00 : f32
    %max3A_22 = vector.broadcast %max3A : f32 to vector<10000x64xf32>
    %max3A_23 = arith.maximumf %add3A_21, %max3A_22 : vector<10000x64xf32>
    %get3A_24 = arith.constant 0 : index
    %get3A_25 = arith.constant 0 : index
    %get3A_26 = vector.load %arg4[%get3A_24, %get3A_25] : memref<1x64xf32, #tpu.memory_space<vmem>>, vector<1x64xf32>
    %mul3A_27 = vector.broadcast %get3A_26 : vector<1x64xf32> to vector<10000x64xf32>
    %mul3A_28 = arith.mulf %max3A_23, %mul3A_27 : vector<10000x64xf32>
    %reduce_sum3A = vector.shape_cast %mul3A_28 : vector<10000x64xf32> to vector<1x10000x64xf32>
    %reduce_sum3A_29 = arith.constant dense<0.000000e+00> : vector<1xf32>
    %reduce_sum3A_30 = vector.multi_reduction <add>, %reduce_sum3A, %reduce_sum3A_29 [1, 2] : vector<1x10000x64xf32> to vector<1xf32>
    %reduce_sum3A_31 = vector.shape_cast %reduce_sum3A_30 : vector<1xf32> to vector<1x1x1xf32>
    %reduce_sum3A_32 = vector.extract %reduce_sum3A_31[0, 0, 0] : f32 from vector<1x1x1xf32>
    %broadcast_in_dim3A = vector.broadcast %reduce_sum3A_32 : f32 to vector<1x1xf32>
    %mul3A_33 = arith.constant 9.99999974E-5 : f32
    %mul3A_34 = vector.broadcast %mul3A_33 : f32 to vector<1x1xf32>
    %mul3A_35 = arith.mulf %broadcast_in_dim3A, %mul3A_34 : vector<1x1xf32>
    %get3A_36 = arith.constant 0 : index
    %get3A_37 = arith.constant 0 : index
    %get3A_38 = vector.load %arg5[%get3A_36, %get3A_37] : memref<1x1xf32, #tpu.memory_space<vmem>>, vector<1x1xf32>
    %add3A_39 = arith.addf %mul3A_35, %get3A_38 : vector<1x1xf32>
    %swap3A = arith.constant 0 : index
    %swap3A_40 = arith.constant 0 : index
    %swap3A_41 = vector.load %arg6[%swap3A, %swap3A_40] : memref<1x1xf32, #tpu.memory_space<vmem>>, vector<1x1xf32>
    tpu.vector_store %arg6[%swap3A, %swap3A_40], %add3A_39 {strides = array<i32>} : memref<1x1xf32, #tpu.memory_space<vmem>>, vector<1x1xf32>,
    return
  }
}

</mosaic_0001>

<sc_bundles>
// kernel: kernel.10.cloned.1.call-start
scs
__scs_entry_jumppad:
0x0: {  	(pc) =	sbr.rel $0x88, $3  }
0x1: {  	(tag) =	ssettag $0x0;
	lr =	simm.s32 $0x1  }
0x2: {  	[smem:$0x3F9B] =	sst lr;
	_ =	strace $0xD0000000  }
0x3: {  	_ = 	snop  }
0x4: {  	_ = 	snop  }
0x5: {  	_ = 	snop  }
0x6: {  	_ = 	snop  }
0x7: {  	_ = 	snop  }
__scs_overlays_trampoline_lowered:
0x8: {  	[smem:$0x3FAA] =	sst s0  }
0x9: {  	[smem:$0x3FAB] =	sst s1  }
0xa: {  	[smem:$0x3FAC] =	sst s2  }
0xb: {  	[smem:$0x3FAD] =	sst s3  }
0xc: {  	[smem:$0x3FAE] =	sst s4  }
0xd: {  	[smem:$0x3FAF] =	sst s5  }
0xe: {  	[smem:$0x3FB0] =	sst s6  }
0xf: {  	[smem:$0x3FB1] =	sst s7  }
0x10: {  	[smem:$0x3FB2] =	sst s8  }
0x11: {  	[smem:$0x3FB3] =	sst s9;
	s0 =	simm.s32 @!p0 $0x0  }
0x12: {  	s1 =	sld [smem:$0x3F99];
	s0 =	simm.s32 @p0 $0x1  }
0x13: {  	[smem:$0x3FB4] =	sst s0;
	s0 =	simm.s32 @!p1 $0x0  }
0x14: {  	s2 =	sld [smem:$0x3F98];
	s0 =	simm.s32 @p1 $0x1  }
0x15: {  	[smem:$0x3FB5] =	sst s0;
	s0 =	simm.s32 @!p2 $0x0  }
0x16: {  	s3 =	sld [smem:$0x3FDB];
	s0 =	simm.s32 @p2 $0x1  }
0x17: {  	s4 =	simm.s32 $0x1BF5;
	[smem:$0x3FB7] =	sst s0  }
0x18: {  	s0 =	sld [smem:$0x3F9A];
	_ =	swait.ge [sflag:s4], $0x0  }
0x19: {  	s7 =	sld [smem:$0x3F9B]  }
0x1a: {  	s8 =	sadd.s32 $0xFFFFE003, lr  }
0x1b: {  	s9 =	sadd.s32 $0xFFFFFEF7, lr;
	s5 =	simm.s32 $0xFFFFFFFF;
	p2 =	slt.u32 s8, $0xFFFFF086  }
0x1c: {  	p1 =	slt.u32 s9, $0xF7A;
	s5 =	simm.s32 @!p2 $0x0  }
0x1d: {  	s5 =	simm.s32 @p1 $0x1;
	p0 =	seq.s32 s7, s2  }
0x1e: {  	s7 =	smul.u32 @!p0 $0xF7A, s2;
	p2 =	seq.s32 @!p0 s5, $0x0  }
0x1f: {  	s9 =	smul.u32 $0xF7A, s1;
	s8 =	simm.s32 @!p0 $0x1BF5;
	p2 =	por !p2, p0  }
0x20: {  	[sflag:s8] =	ssyncset.s32 @!p0 $0xFFFFF086;
	s6 =	sadd.s32 @!p0 s3, s7;
	s7 =	simm.s32 @!p0 $0x108  }
0x21: {  	s3 =	sadd.s32 s3, s9;
	s6 =	sadd.s32 @!p0 $0x88, s6;
	s7 =	simm.s32 @p2 $0x1082  }
0x22: {  	[simem:s7], [sflag:s8] =	dma.local @!p0 [hbm:s6], $0xF7A  }
0x23: {  	s9 =	sor.u32 $0xD0000000, s2;
	s6 =	simm.s32 $0x108;
	_ =	swait.ge @!p0 [sflag:s8], $0x0  }
0x24: {  	s3 =	sadd.s32 $0x88, s3;
	s6 =	simm.s32 @!p1 $0x1082;
	[sflag:s4] =	ssyncset.s32 $0xFFFFF086  }
0x25: {  	[simem:s6], [sflag:s4] =	dma.local [hbm:s3], $0xF7A  }
0x26: {  	[smem:$0x3F9B] =	sst s1;
	(tag) =	ssettag s2;
	_ =	strace s9  }
0x27: {  	s1 =	sld [smem:$0x3FAB]  }
0x28: {  	s2 =	sld [smem:$0x3FAC]  }
0x29: {  	s4 =	sld [smem:$0x3FAE]  }
0x2a: {  	p0 =	seq.s32 s5, $0x0;
	s5 =	sld [smem:$0x3FAF]  }
0x2b: {  	s6 =	sld [smem:$0x3FB0]  }
0x2c: {  	s7 =	sld [smem:$0x3FB1]  }
0x2d: {  	s3 =	simm.s32 $0x108;
	s8 =	sld [smem:$0x3FB2]  }
0x2e: {  	s3 =	simm.s32 @!p0 $0x1082;
	s9 =	sld [smem:$0x3FB3]  }
0x2f: {  	lr =	sadd.s32 s0, s3;
	s0 =	sld [smem:$0x3FAA]  }
0x30: {  	s3 =	sld [smem:$0x3FAD]  }
0x31: {  	[smem:$0x3FB6] =	sst s10  }
0x32: {  	s10 =	sld [smem:$0x3FB4];
	_ =	sdelay $0x3  }
0x33: {  	p0 =	seq.s32 s10, $0x1;
	s10 =	sld [smem:$0x3FB6];
	_ =	sdelay $0x3  }
0x34: {  	[smem:$0x3FB6] =	sst s10  }
0x35: {  	s10 =	sld [smem:$0x3FB5];
	_ =	sdelay $0x3  }
0x36: {  	p1 =	seq.s32 s10, $0x1;
	s10 =	sld [smem:$0x3FB6];
	_ =	sdelay $0x3  }
0x37: {  	[smem:$0x3FB6] =	sst s10  }
0x38: {  	s10 =	sld [smem:$0x3FB7]  }
0x39: {  	_ = 	snop;
	(pc) =	sbr.ind lr, $3  }
0x3a: {  	_ = 	snop  }
0x3b: {  	_ = 	snop  }
0x3c: {  	p2 =	seq.s32 s10, $0x1;
	s10 =	sld [smem:$0x3FB6]  }
0x3d: {  	_ =	shalt  }
0x3e: {  	_ =	shalt  }
0x3f: {  	_ =	shalt  }
0x40: {  	_ =	shalt  }
0x41: {  	_ =	shalt  }
0x42: {  	_ =	shalt  }
0x43: {  	_ =	shalt  }
0x44: {  	_ =	shalt  }
0x45: {  	_ =	shalt  }
0x46: {  	_ =	shalt  }
0x47: {  	_ =	shalt  }
0x48: {  	_ =	shalt  }
0x49: {  	_ =	shalt  }
0x4a: {  	_ =	shalt  }
0x4b: {  	_ =	shalt  }
0x4c: {  	_ =	shalt  }
0x4d: {  	_ =	shalt  }
0x4e: {  	_ =	shalt  }
0x4f: {  	_ =	shalt  }
0x50: {  	_ =	shalt  }
0x51: {  	_ =	shalt  }
0x52: {  	_ =	shalt  }
0x53: {  	_ =	shalt  }
0x54: {  	_ =	shalt  }
0x55: {  	_ =	shalt  }
0x56: {  	_ =	shalt  }
0x57: {  	_ =	shalt  }
0x58: {  	_ =	shalt  }
0x59: {  	_ =	shalt  }
0x5a: {  	_ =	shalt  }
0x5b: {  	_ =	shalt  }
0x5c: {  	_ =	shalt  }
0x5d: {  	_ =	shalt  }
0x5e: {  	_ =	shalt  }
0x5f: {  	_ =	shalt  }
0x60: {  	_ =	shalt  }
0x61: {  	_ =	shalt  }
0x62: {  	_ =	shalt  }
0x63: {  	_ =	shalt  }
0x64: {  	_ =	shalt  }
0x65: {  	_ =	shalt  }
0x66: {  	_ =	shalt  }
0x67: {  	_ =	shalt  }
0x68: {  	_ =	shalt  }
0x69: {  	_ =	shalt  }
0x6a: {  	_ =	shalt  }
0x6b: {  	_ =	shalt  }
0x6c: {  	_ =	shalt  }
0x6d: {  	_ =	shalt  }
0x6e: {  	_ =	shalt  }
0x6f: {  	_ =	shalt  }
0x70: {  	_ =	shalt  }
0x71: {  	_ =	shalt  }
0x72: {  	_ =	shalt  }
0x73: {  	_ =	shalt  }
0x74: {  	_ =	shalt  }
0x75: {  	_ =	shalt  }
0x76: {  	_ =	shalt  }
0x77: {  	_ =	shalt  }
0x78: {  	_ =	shalt  }
0x79: {  	_ =	shalt  }
0x7a: {  	_ =	shalt  }
0x7b: {  	_ =	shalt  }
0x7c: {  	_ =	shalt  }
0x7d: {  	_ =	shalt  }
0x7e: {  	_ =	shalt  }
0x7f: {  	_ =	shalt  }
0x80: {  	_ =	shalt  }
0x81: {  	_ =	shalt  }
0x82: {  	_ =	shalt  }
0x83: {  	_ =	shalt  }
0x84: {  	_ =	shalt  }
0x85: {  	_ =	shalt  }
0x86: {  	_ =	shalt  }
0x87: {  	_ =	shalt  }
.Lfunc_end0:
.L_simem_size_0:
called_computation.1_lowered:
.L_overlay_start_0:
0x88: {  	s2 =	sld [smem:$0x3FD9]  }
0x89: {  	s3 =	sld [smem:$0x3FFE];
	_ =	sdelay $0x1  }
0x8a: {  	s1 =	srdreg.scid  }
0x8b: {  	s0 =	sand.u32 $0x1, s1  }
0x8c: {  	s16 =	sshll.u32 s0, $0xA;
	s2 =	sadd.s32 s3, s2  }
0x8d: {  	s2 =	sadd.s32 s2, s16  }
0x8e: {  	[smem:$0x3FC2] =	sst s2  }
0x8f: {  	_ = 	snop  }
0x90: {  	(tm) =	ssettm $0x1  }
0x91: {  	s17 =	sld [smem:$0x3FFB];
	_ =	sdelay $0x3  }
0x92: {  	_ =	strace s17  }
0x93: {  	s2 =	sld [smem:$0x3FFC];
	_ =	sdelay $0x3  }
0x94: {  	_ =	strace s2  }
0x95: {  	s2 =	sld [smem:$0x3FFD];
	_ =	sdelay $0x3  }
0x96: {  	_ =	strace s2  }
0x97: {  	_ =	strace $0x8FFFFFFF  }
0x98: {  	s18 =	sld [smem:$0x3FDB];
	_ =	sdelay $0x1  }
0x99: {  	s19 =	simm.s32 $_scs_section_size  }
0x9a: {  	s4 =	simm.s32 $_size__tile_overlayer_lowered;
	s5 =	simm.s32 $_tile_overlayer_lowered  }
0x9b: {  	s22 =	simm.s32 $0x1BFF;
	s21 =	sshll.u32 s5, $0x1;
	s2 =	sadd.s32 s19, s18  }
0x9c: {  	s6 =	simm.s32 $0x0;
	s20 =	sshll.u32 s4, $0x1;
	s4 =	sadd.s32 s21, s2  }
0x9d: {  	[timem:s6], [sflag:s22] =	dma.local [hbm:s4], s20  }
0x9e: {  	_ =	swait.ge [sflag:s22], s20  }
0x9f: {  	s3 =	ssub.s32 $0x0, s20;
	[sflag:s22] =	ssyncset.done $0x0  }
0xa0: {  	[sflag:s22] =	ssyncadd.s32 s3;
	_ =	sdelay $0x1  }
0xa1: {  	s23 =	simm.s32 $0x1B8B  }
0xa2: {  	_ =	swait.ge [sflag:s23], $0x1  }
0xa3: {  	[sflag:s23] =	ssyncset.done $0x0  }
0xa4: {  	s25 =	simm.s32 $0x1B8E;
	s24 =	sld [smem:$0x3FFE];
	[sflag:s23] =	ssyncadd.s32 $0xFFFFFFFF  }
0xa5: {  	s26 =	simm.s32 $execute0_lowered;
	[smem:$0x3FD2] =	sst s25  }
0xa6: {  	s4 =	sshll.u32 s26, $0x1;
	_ =	strace $0x80000049;
	[dreg:$0x1] =	wrdreg $0xFFFFFFFF  }
0xa7: {  	s28 =	simm.s32 $_size_execute0_lowered;
	s2 =	sadd.s32 s2, s4;
	[dreg:$0x0] =	wrdreg $0x0  }
0xa8: {  	s4 =	sshll.u32 s28, $0x1;
	[dreg:$0x2] =	wrdreg s2  }
0xa9: {  	[dreg:$0x3] =	wrdreg s4  }
0xaa: {  	[dreg:$0x4] =	wrdreg $0xC0  }
0xab: {  	_ =	task [dreg:s6], $0x5FFFF  }
0xac: {  	[dreg:$0x1] =	wrdreg $0xFFFFFFFF  }
0xad: {  	[dreg:$0x0] =	wrdreg $0x60  }
0xae: {  	[dreg:$0x2] =	wrdreg s24  }
0xaf: {  	[dreg:$0x3] =	wrdreg $0x150000  }
0xb0: {  	[dreg:$0x4] =	wrdreg $0x9  }
0xb1: {  	_ =	task.clear_ibuf [dreg:s6], $0x5FFFF;
	_ =	strace $0x90000049  }
0xb2: {  	s29 =	simm.s32 $0x9;
	_ =	strace $0x8000004B  }
0xb3: {  	_ =	swait.ge [sflag:s29], $0x1  }
0xb4: {  	[sflag:s29] =	ssyncadd.s32 $0xFFFFFFFF  }
0xb5: {  	_ =	strace $0x9000004B  }
0xb6: {  	_ =	sfence  }
0xb7: {  	s30 =	sld [smem:$0x0];
	_ =	sdelay $0x2  }
0xb8: {  	s31 =	sshll.u32 s1, $0xD;
	s1 =	sshrl.u32 s1, $0x2  }
0xb9: {  	s3 =	sand.u32 $0x4000, s31;
	s1 =	sadd.s32 s1, s30  }
0xba: {  	s0 =	sor.u32 s3, s0;
	s1 =	sshll.u32 s1, $0x11  }
0xbb: {  	s0 =	sor.u32 s1, s0  }
0xbc: {  	s0 =	sadd.s32 $0x8F2B, s0  }
0xbd: {  	[sflag:s0] =	ssyncadd.remote.s32 $0x1  }
0xbe: {  	_ =	sfence.sel $0xFFFF  }
0xbf: {  	[dreg:$0x0] =	wrdreg $0xFFFFFFFF;
	(pc) =	sbr.abs _section_cstart, $3  }
0xc0: {  	[dreg:$0x1] =	wrdreg $0xFFFFFFFF  }
0xc1: {  	_ =	task.clear_ibuf [dreg:s6], $0x2FFFF;
	_ =	strace $0x9FFFFFFF  }
0xc2: {  	(tm) =	ssettm $0x7FFFFFFF  }
0xc3: {  	_ =	shalt  }
tec
execute0_lowered:
.L_overlay_start_1:
0x0: {  	(tag) =	ssettag $0x1  }
0x1: {  	s0 =	srdreg.scid;
	s3 =	rddreg [dreg:$0x0]  }
0x2: {  	s9 =	stileid.u32;
	s2 =	rddreg [dreg:$0x1];
	s4 =	simm.s32 $0x0  }
0x3: {  	s13 =	simm.s32 $0x11;
	s14 =	simm.s32 $0x80;
	s15 =	simm.s32 $0x5000  }
0x4: {  	s16 =	simm.s32 $0x7000;
	s18 =	simm.s32 $0x9000;
	s20 =	simm.s32 $0xB000  }
0x5: {  	s29 =	simm.s32 $0x13000;
	s30 =	simm.s32 $0x1;
	s31 =	simm.s32 $0x2  }
0x6: {  	s11 =	simm.s32 $0x5;
	s17 =	simm.s32 $0x6;
	s19 =	simm.s32 $0x7  }
0x7: {  	s21 =	simm.s32 $0x8;
	s28 =	simm.s32 $0xB;
	s10 =	simm.s32 $0x0  }
0x8: {  	s0 =	sand.u32 $0x1, s0;
	s5 =	smul.u32 $0xA000, s9;
	[smem:$0x7FF] =	sst s4  }
0x9: {  	s6 =	smul.u32 $0x1400, s9;
	s4 =	sadd.s32 $0x15200, s3;
	s26 =	sshll.u32 s9, $0x6  }
0xa: {  	s1 =	sshll.u32 s0, $0x4;
	_ =	strace $0x8000004A;
	s7 =	smul.u32 $0x14000, s0  }
0xb: {  	s0 =	ssub.s32 $0x2, s0;
	[dreg:$0xa] =	wrdreg s10;
	s1 =	sor.u32 s9, s1  }
0xc: {  	s8 =	sshrl.u32 s5, $0x3;
	s22 =	sshrl.u32 s0, $0x1;
	s24 =	sadd.s32 s5, s2  }
0xd: {  	s5 =	simm.s32 $0xC;
	s9 =	simm.s32 $0x10;
	s1 =	smul.u32 $0x500, s1  }
0xe: {  	s8 =	sadd.s32 s8, s3;
	s6 =	sadd.s32 s6, s7;
	s0 =	ssub.s32 s0, s22  }
0xf: {  	s12 =	sshrl.u32 s24, $0x3;
	s22 =	simm.s32 $0xD000;
	s24 =	simm.s32 $0xF000  }
0x10: {  	s7 =	simm.s32 $0xE;
	s25 =	sadd.s32 $0x28C00, s8;
	[dreg:$0x8] =	wrdreg s12  }
0x11: {  	s0 =	smax.u32 s0, $0x1;
	s8 =	simm.s32 $0xF;
	[dreg:$0x5] =	wrdreg s25  }
0x12: {  	s1 =	sadd.s32 s1, s3;
	s3 =	sadd.s32 s6, s3;
	[dreg:$0x7] =	wrdreg s0  }
.Ltmp0:
0x13: {  	s0 =	sor.u32 $0x1C11, s26;
	s26 =	simm.s32 $0x11000;
	(pc) =	sbr.rel .LBB2_1-.Ltmp0, $4  }
0x14: {  	s25 =	simm.s32 $0xA;
	s23 =	sadd.s32 $0x1200, s1;
	[dreg:$0x9] =	wrdreg s0  }
0x15: {  	s6 =	simm.s32 $0xD;
	s1 =	sadd.s32 $0xB200, s1;
	[dreg:$0x3] =	wrdreg s23  }
0x16: {  	s3 =	sadd.s32 $0x3CC00, s3;
	s0 =	simm.s32 $0x4;
	[dreg:$0x4] =	wrdreg s1  }
0x17: {  	[dreg:$0x6] =	wrdreg s3;
	s1 =	simm.s32 $0x3;
	s23 =	simm.s32 $0x9  }
.LBB2_4:
0x18: {  	_ =	swait.ge [sflag:s25], $0x2000  }
0x19: {  	[sflag:s25] =	ssyncset.done $0x0  }
0x1a: {  	[sflag:s25] =	ssyncadd.s32 $0xFFFFE000  }
0x1b: {  	_ =	swait.ge [sflag:s28], $0x2000  }
0x1c: {  	[sflag:s28] =	ssyncset.done $0x0  }
0x1d: {  	[sflag:s28] =	ssyncadd.s32 $0xFFFFE000  }
0x1e: {  	_ =	swait.ge [sflag:s5], $0x2000  }
0x1f: {  	[sflag:s5] =	ssyncset.done $0x0  }
0x20: {  	[sflag:s5] =	ssyncadd.s32 $0xFFFFE000  }
0x21: {  	_ =	swait.ge [sflag:s6], $0x2000  }
0x22: {  	[sflag:s6] =	ssyncset.done $0x0  }
0x23: {  	[sflag:s6] =	ssyncadd.s32 $0xFFFFE000  }
0x24: {  	_ =	swait.ge [sflag:s7], $0x2000  }
0x25: {  	[sflag:s7] =	ssyncset.done $0x0  }
0x26: {  	[sflag:s7] =	ssyncadd.s32 $0xFFFFE000  }
0x27: {  	_ =	swait.ge [sflag:s8], $0x2000  }
0x28: {  	[sflag:s8] =	ssyncset.done $0x0  }
0x29: {  	[sflag:s8] =	ssyncadd.s32 $0xFFFFE000  }
0x2a: {  	_ =	swait.ge [sflag:s9], $0x2000  }
0x2b: {  	[sflag:s9] =	ssyncset.done $0x0  }
0x2c: {  	[sflag:s9] =	ssyncadd.s32 $0xFFFFE000  }
0x2d: {  	[bflag:$0x0] =	sbarrier.arrive $0xFFFF  }
0x2e: {  	s10 =	rddreg [dreg:$0x6]  }
0x2f: {  	s12 =	rddreg [dreg:$0x8]  }
0x30: {  	s13 =	simm.s32 $0x11;
	s3 =	rddreg [dreg:$0x9]  }
0x31: {  	[hbm:s10], [sflag:s3] =	dma.local [spmem:s12], $0x1400  }
0x32: {  	_ =	swait.ge [sflag:s13], $0x1400  }
0x33: {  	s10 =	rddreg [dreg:$0xa]  }
0x34: {  	s12 =	rddreg [dreg:$0x7];
	s3 =	sadd.s32 $0x1, s10  }
0x35: {  	p0 =	sne.s32 s3, s12  }
.Ltmp1:
0x36: {  	_ = 	snop;
	(pc) =	sbr.rel @!p0 .LBB2_5-.Ltmp1, $3  }
0x37: {  	_ =	sdelay $0x1  }
0x38: {  	[sflag:s13] =	ssyncset.done $0x0  }
0x39: {  	[sflag:s13] =	ssyncadd.s32 $0xFFFFEC00;
	[dreg:$0xa] =	wrdreg s3  }
.LBB2_1:
0x3a: {  	s3 =	simm.s32 $0x0;
	s12 =	rddreg [dreg:$0x3]  }
0x3b: {  	[tilespmem:s3], [sflag:$0x11] =	stream.linear.gather [hbm4b:s12+s3], $0x2800, $0x38;
	[tilespmem:$0x1F000] =	vst v63  }
0x3c: {  	_ =	swait.ge [sflag:s13], $0x2800  }
0x3d: {  	s10 =	simm.s32 $0x0;
	[sflag:s13] =	ssyncset.done $0x0  }
0x3e: {  	s3 =	simm.s32 $0x2800;
	s12 =	rddreg [dreg:$0x4];
	[sflag:s13] =	ssyncadd.s32 $0xFFFFD800  }
0x3f: {  	[tilespmem:s3], [sflag:$0x11] =	stream.linear.gather [hbm4b:s12+s10], $0x2800, $0x38;
	[tilespmem:$0x1F000] =	vst v63  }
0x40: {  	s10 =	rddreg [dreg:$0x9];
	_ =	swait.ge [sflag:s13], $0x2800  }
0x41: {  	[sflag:s13] =	ssyncset.done $0x0;
	s12 =	rddreg [dreg:$0x5]  }
0x42: {  	s3 =	rddreg [dreg:$0x8];
	[sflag:s13] =	ssyncadd.s32 $0xFFFFD800  }
0x43: {  	[spmem:s3], [sflag:s10] =	dma.local [hbm:s12], $0x1400  }
0x44: {  	_ =	swait.ge [sflag:s13], $0x1400  }
0x45: {  	[sflag:s13] =	ssyncset.done $0x0  }
0x46: {  	[sflag:s13] =	ssyncadd.s32 $0xFFFFEC00  }
0x47: {  	s13 =	simm.s32 $0x0;
	[bflag:$0x0] =	sbarrier.arrive $0xFFFF  }
0x48: {  	[tilespmem:s15], [sflag:$0x1] =	stream.indirect.gather [hbm4b:s4+s14], $0x40, s13, s14, $0xb8;
	[tilespmem:$0x1F000] =	vst v63  }
0x49: {  	_ = 	snop  }
0x4a: {  	[tilespmem:s16], [sflag:$0x2] =	stream.indirect.gather [hbm4b:s4+s14], $0x40, s14, s14, $0xb8;
	[tilespmem:$0x1F000] =	vst v63  }
0x4b: {  	s3 =	simm.s32 $0x100  }
0x4c: {  	[tilespmem:s18], [sflag:$0x3] =	stream.indirect.gather [hbm4b:s4+s14], $0x40, s3, s14, $0xb8;
	[tilespmem:$0x1F000] =	vst v63  }
0x4d: {  	s12 =	simm.s32 $0x180  }
0x4e: {  	[tilespmem:s20], [sflag:$0x4] =	stream.indirect.gather [hbm4b:s4+s14], $0x40, s12, s14, $0xb8;
	[tilespmem:$0x1F000] =	vst v63  }
0x4f: {  	s13 =	simm.s32 $0x200  }
0x50: {  	[tilespmem:s22], [sflag:$0x5] =	stream.indirect.gather [hbm4b:s4+s14], $0x40, s13, s14, $0xb8;
	[tilespmem:$0x1F000] =	vst v63  }
0x51: {  	s3 =	simm.s32 $0x280  }
0x52: {  	[tilespmem:s24], [sflag:$0x6] =	stream.indirect.gather [hbm4b:s4+s14], $0x40, s3, s14, $0xb8;
	[tilespmem:$0x1F000] =	vst v63  }
0x53: {  	s12 =	simm.s32 $0x300  }
0x54: {  	[tilespmem:s26], [sflag:$0x7] =	stream.indirect.gather [hbm4b:s4+s14], $0x40, s12, s14, $0xb8;
	[tilespmem:$0x1F000] =	vst v63  }
0x55: {  	s13 =	simm.s32 $0x380;
	s12 =	simm.s32 $0x0  }
0x56: {  	[tilespmem:s29], [sflag:$0x8] =	stream.indirect.gather [hbm4b:s4+s14], $0x40, s13, s14, $0xb8;
	[tilespmem:$0x1F000] =	vst v63  }
.LBB2_2:
0x57: {  	_ =	swait.ge [sflag:s30], $0x2000  }
0x58: {  	s13 =	sshra.s32 s12, $0x2;
	[sflag:s30] =	ssyncset.done $0x0  }
0x59: {  	s10 =	sadd.s32 $0x2800, s13;
	[sflag:s30] =	ssyncadd.s32 $0xFFFFE000  }
0x5a: {  	[spmem:s2] =	stream.indirect.scatter.add.f32 [tilespmem:s15], [sflag:$0x9], $0x40, s10, s14, $0xb8;
	[tilespmem:$0x1F000] =	vst v63  }
0x5b: {  	_ =	swait.ge [sflag:s31], $0x2000  }
0x5c: {  	[sflag:s31] =	ssyncset.done $0x0  }
0x5d: {  	s3 =	sadd.s32 $0x2880, s13;
	[sflag:s31] =	ssyncadd.s32 $0xFFFFE000  }
0x5e: {  	[spmem:s2] =	stream.indirect.scatter.add.f32 [tilespmem:s16], [sflag:$0xA], $0x40, s3, s14, $0xb8;
	[tilespmem:$0x1F000] =	vst v63  }
0x5f: {  	_ =	swait.ge [sflag:s1], $0x2000  }
0x60: {  	[sflag:s1] =	ssyncset.done $0x0  }
0x61: {  	s3 =	sadd.s32 $0x2900, s13;
	[sflag:s1] =	ssyncadd.s32 $0xFFFFE000  }
0x62: {  	[spmem:s2] =	stream.indirect.scatter.add.f32 [tilespmem:s18], [sflag:$0xB], $0x40, s3, s14, $0xb8;
	[tilespmem:$0x1F000] =	vst v63  }
0x63: {  	_ =	swait.ge [sflag:s0], $0x2000  }
0x64: {  	[sflag:s0] =	ssyncset.done $0x0  }
0x65: {  	s3 =	sadd.s32 $0x2980, s13;
	[sflag:s0] =	ssyncadd.s32 $0xFFFFE000  }
0x66: {  	[spmem:s2] =	stream.indirect.scatter.add.f32 [tilespmem:s20], [sflag:$0xC], $0x40, s3, s14, $0xb8;
	[tilespmem:$0x1F000] =	vst v63  }
0x67: {  	_ =	swait.ge [sflag:s11], $0x2000  }
0x68: {  	[sflag:s11] =	ssyncset.done $0x0  }
0x69: {  	s3 =	sadd.s32 $0x2A00, s13;
	[sflag:s11] =	ssyncadd.s32 $0xFFFFE000  }
0x6a: {  	[spmem:s2] =	stream.indirect.scatter.add.f32 [tilespmem:s22], [sflag:$0xD], $0x40, s3, s14, $0xb8;
	[tilespmem:$0x1F000] =	vst v63  }
0x6b: {  	_ =	swait.ge [sflag:s17], $0x2000  }
0x6c: {  	[sflag:s17] =	ssyncset.done $0x0  }
0x6d: {  	s3 =	sadd.s32 $0x2A80, s13;
	[sflag:s17] =	ssyncadd.s32 $0xFFFFE000  }
0x6e: {  	[spmem:s2] =	stream.indirect.scatter.add.f32 [tilespmem:s24], [sflag:$0xE], $0x40, s3, s14, $0xb8;
	[tilespmem:$0x1F000] =	vst v63  }
0x6f: {  	_ =	swait.ge [sflag:s19], $0x2000  }
0x70: {  	[sflag:s19] =	ssyncset.done $0x0  }
0x71: {  	s3 =	sadd.s32 $0x2B00, s13;
	[sflag:s19] =	ssyncadd.s32 $0xFFFFE000  }
0x72: {  	[spmem:s2] =	stream.indirect.scatter.add.f32 [tilespmem:s26], [sflag:$0xF], $0x40, s3, s14, $0xb8;
	[tilespmem:$0x1F000] =	vst v63  }
0x73: {  	_ =	swait.ge [sflag:s21], $0x2000  }
0x74: {  	p0 =	seq.s32 s12, $0x9000;
	[sflag:s21] =	ssyncset.done $0x0  }
.Ltmp2:
0x75: {  	s3 =	sadd.s32 $0x2B80, s13;
	[sflag:s21] =	ssyncadd.s32 $0xFFFFE000;
	(pc) =	sbr.rel @p0 .LBB2_4-.Ltmp2, $4  }
0x76: {  	[spmem:s2] =	stream.indirect.scatter.add.f32 [tilespmem:s29], [sflag:$0x10], $0x40, s3, s14, $0xb8;
	[tilespmem:$0x1F000] =	vst v63  }
0x77: {  	_ =	swait.ge [sflag:s23], $0x2000  }
0x78: {  	[sflag:s23] =	ssyncset.done $0x0  }
0x79: {  	[sflag:s23] =	ssyncadd.s32 $0xFFFFE000  }
0x7a: {  	s10 =	sadd.s32 $0x400, s13  }
0x7b: {  	[tilespmem:s15], [sflag:$0x1] =	stream.indirect.gather [hbm4b:s4+s14], $0x40, s10, s14, $0xb8;
	[tilespmem:$0x1F000] =	vst v63  }
0x7c: {  	_ =	swait.ge [sflag:s25], $0x2000  }
0x7d: {  	[sflag:s25] =	ssyncset.done $0x0  }
0x7e: {  	s3 =	sadd.s32 $0x480, s13;
	[sflag:s25] =	ssyncadd.s32 $0xFFFFE000  }
0x7f: {  	[tilespmem:s16], [sflag:$0x2] =	stream.indirect.gather [hbm4b:s4+s14], $0x40, s3, s14, $0xb8;
	[tilespmem:$0x1F000] =	vst v63  }
0x80: {  	_ =	swait.ge [sflag:s28], $0x2000  }
0x81: {  	[sflag:s28] =	ssyncset.done $0x0  }
0x82: {  	s3 =	sadd.s32 $0x500, s13;
	[sflag:s28] =	ssyncadd.s32 $0xFFFFE000  }
0x83: {  	[tilespmem:s18], [sflag:$0x3] =	stream.indirect.gather [hbm4b:s4+s14], $0x40, s3, s14, $0xb8;
	[tilespmem:$0x1F000] =	vst v63  }
0x84: {  	_ =	swait.ge [sflag:s5], $0x2000  }
0x85: {  	[sflag:s5] =	ssyncset.done $0x0  }
0x86: {  	s3 =	sadd.s32 $0x580, s13;
	[sflag:s5] =	ssyncadd.s32 $0xFFFFE000  }
0x87: {  	[tilespmem:s20], [sflag:$0x4] =	stream.indirect.gather [hbm4b:s4+s14], $0x40, s3, s14, $0xb8;
	[tilespmem:$0x1F000] =	vst v63  }
0x88: {  	_ =	swait.ge [sflag:s6], $0x2000  }
0x89: {  	[sflag:s6] =	ssyncset.done $0x0  }
0x8a: {  	s3 =	sadd.s32 $0x600, s13;
	[sflag:s6] =	ssyncadd.s32 $0xFFFFE000  }
0x8b: {  	[tilespmem:s22], [sflag:$0x5] =	stream.indirect.gather [hbm4b:s4+s14], $0x40, s3, s14, $0xb8;
	[tilespmem:$0x1F000] =	vst v63  }
0x8c: {  	_ =	swait.ge [sflag:s7], $0x2000  }
0x8d: {  	[sflag:s7] =	ssyncset.done $0x0  }
0x8e: {  	s3 =	sadd.s32 $0x680, s13;
	[sflag:s7] =	ssyncadd.s32 $0xFFFFE000  }
0x8f: {  	[tilespmem:s24], [sflag:$0x6] =	stream.indirect.gather [hbm4b:s4+s14], $0x40, s3, s14, $0xb8;
	[tilespmem:$0x1F000] =	vst v63  }
0x90: {  	_ =	swait.ge [sflag:s8], $0x2000  }
0x91: {  	[sflag:s8] =	ssyncset.done $0x0  }
0x92: {  	s3 =	sadd.s32 $0x700, s13;
	[sflag:s8] =	ssyncadd.s32 $0xFFFFE000  }
0x93: {  	[tilespmem:s26], [sflag:$0x7] =	stream.indirect.gather [hbm4b:s4+s14], $0x40, s3, s14, $0xb8;
	[tilespmem:$0x1F000] =	vst v63  }
.Ltmp3:
0x94: {  	_ = 	snop;
	(pc) =	sbr.rel .LBB2_2-.Ltmp3, $4  }
0x95: {  	_ =	swait.ge [sflag:s9], $0x2000  }
0x96: {  	[sflag:s9] =	ssyncset.done $0x0  }
0x97: {  	s12 =	sadd.s32 $0x1000, s12;
	s13 =	sadd.s32 $0x780, s13;
	[sflag:s9] =	ssyncadd.s32 $0xFFFFE000  }
0x98: {  	[tilespmem:s29], [sflag:$0x8] =	stream.indirect.gather [hbm4b:s4+s14], $0x40, s13, s14, $0xb8;
	[tilespmem:$0x1F000] =	vst v63  }
.LBB2_5:
0x99: {  	_ =	sfence.sel $0x180000  }
0x9a: {  	[bflag:$0x0] =	sbarrier.arrive $0xFFFF  }
0x9b: {  	_ =	strace $0x9000004A  }
0x9c: {  	s0 =	stileid.u32;
	[bflag:$0x2] =	sbarrier.arrive $0xFFFF  }
0x9d: {  	p0 =	sne.s32 s0, $0x0;
	s0 =	rddreg [dreg:$0x2]  }
0x9e: {  	s0 =	sadd.s32 @!p0 $0x100000, s0  }
0x9f: {  	[sflag:s0] =	ssyncadd.tile.s32 @!p0 $0x1;
	_ =	shalt  }
.Lfunc_end2:
_tile_overlayer_lowered:
.L_overlay_start_2:
0xa0: {  	(tag) =	ssettag $0x2  }
0xa1: {  	s0 =	rddreg [dreg:$0x0];
	s2 =	stileid.u32  }
0xa2: {  	s1 =	rddreg [dreg:$0x1];
	p0 =	sne.s32 s2, $0x0  }
0xa3: {  	s3 =	rddreg [dreg:$0x2];
	[bflag:$0x3] =	sbarrier.arrive $0xFFFF;
	s2 =	simm.s32 @!p0 $0x1C11  }
0xa4: {  	[timem:s3], [sflag:s2] =	dma.local @!p0 [hbm:s0], s1  }
0xa5: {  	s0 =	simm.s32 @!p0 $0x11  }
0xa6: {  	_ =	swait.ge @!p0 [sflag:s0], s1  }
0xa7: {  	s1 =	ssub.s32 @!p0 $0x0, s1;
	[sflag:s0] =	ssyncset.done @!p0 $0x0  }
0xa8: {  	[sflag:s0] =	ssyncadd.s32 @!p0 s1  }
0xa9: {  	[bflag:$0x3] =	sbarrier.arrive $0xFFFF  }
0xaa: {  	_ =	shalt  }

// kernel: kernel.7.cloned.1.call-start
scs
__scs_entry_jumppad:
0x0: {  	(pc) =	sbr.rel $0x88, $3  }
0x1: {  	(tag) =	ssettag $0x0;
	lr =	simm.s32 $0x1  }
0x2: {  	[smem:$0x3F9B] =	sst lr;
	_ =	strace $0xD0000000  }
0x3: {  	_ = 	snop  }
0x4: {  	_ = 	snop  }
0x5: {  	_ = 	snop  }
0x6: {  	_ = 	snop  }
0x7: {  	_ = 	snop  }
__scs_overlays_trampoline_lowered:
0x8: {  	[smem:$0x3FAA] =	sst s0  }
0x9: {  	[smem:$0x3FAB] =	sst s1  }
0xa: {  	[smem:$0x3FAC] =	sst s2  }
0xb: {  	[smem:$0x3FAD] =	sst s3  }
0xc: {  	[smem:$0x3FAE] =	sst s4  }
0xd: {  	[smem:$0x3FAF] =	sst s5  }
0xe: {  	[smem:$0x3FB0] =	sst s6  }
0xf: {  	[smem:$0x3FB1] =	sst s7  }
0x10: {  	[smem:$0x3FB2] =	sst s8  }
0x11: {  	[smem:$0x3FB3] =	sst s9;
	s0 =	simm.s32 @!p0 $0x0  }
0x12: {  	s1 =	sld [smem:$0x3F99];
	s0 =	simm.s32 @p0 $0x1  }
0x13: {  	[smem:$0x3FB4] =	sst s0;
	s0 =	simm.s32 @!p1 $0x0  }
0x14: {  	s2 =	sld [smem:$0x3F98];
	s0 =	simm.s32 @p1 $0x1  }
0x15: {  	[smem:$0x3FB5] =	sst s0;
	s0 =	simm.s32 @!p2 $0x0  }
0x16: {  	s3 =	sld [smem:$0x3FDB];
	s0 =	simm.s32 @p2 $0x1  }
0x17: {  	s4 =	simm.s32 $0x1BF5;
	[smem:$0x3FB7] =	sst s0  }
0x18: {  	s0 =	sld [smem:$0x3F9A];
	_ =	swait.ge [sflag:s4], $0x0  }
0x19: {  	s7 =	sld [smem:$0x3F9B]  }
0x1a: {  	s8 =	sadd.s32 $0xFFFFE003, lr  }
0x1b: {  	s9 =	sadd.s32 $0xFFFFFEF7, lr;
	s5 =	simm.s32 $0xFFFFFFFF;
	p2 =	slt.u32 s8, $0xFFFFF086  }
0x1c: {  	p1 =	slt.u32 s9, $0xF7A;
	s5 =	simm.s32 @!p2 $0x0  }
0x1d: {  	s5 =	simm.s32 @p1 $0x1;
	p0 =	seq.s32 s7, s2  }
0x1e: {  	s7 =	smul.u32 @!p0 $0xF7A, s2;
	p2 =	seq.s32 @!p0 s5, $0x0  }
0x1f: {  	s9 =	smul.u32 $0xF7A, s1;
	s8 =	simm.s32 @!p0 $0x1BF5;
	p2 =	por !p2, p0  }
0x20: {  	[sflag:s8] =	ssyncset.s32 @!p0 $0xFFFFF086;
	s6 =	sadd.s32 @!p0 s3, s7;
	s7 =	simm.s32 @!p0 $0x108  }
0x21: {  	s3 =	sadd.s32 s3, s9;
	s6 =	sadd.s32 @!p0 $0x88, s6;
	s7 =	simm.s32 @p2 $0x1082  }
0x22: {  	[simem:s7], [sflag:s8] =	dma.local @!p0 [hbm:s6], $0xF7A  }
0x23: {  	s9 =	sor.u32 $0xD0000000, s2;
	s6 =	simm.s32 $0x108;
	_ =	swait.ge @!p0 [sflag:s8], $0x0  }
0x24: {  	s3 =	sadd.s32 $0x88, s3;
	s6 =	simm.s32 @!p1 $0x1082;
	[sflag:s4] =	ssyncset.s32 $0xFFFFF086  }
0x25: {  	[simem:s6], [sflag:s4] =	dma.local [hbm:s3], $0xF7A  }
0x26: {  	[smem:$0x3F9B] =	sst s1;
	(tag) =	ssettag s2;
	_ =	strace s9  }
0x27: {  	s1 =	sld [smem:$0x3FAB]  }
0x28: {  	s2 =	sld [smem:$0x3FAC]  }
0x29: {  	s4 =	sld [smem:$0x3FAE]  }
0x2a: {  	p0 =	seq.s32 s5, $0x0;
	s5 =	sld [smem:$0x3FAF]  }
0x2b: {  	s6 =	sld [smem:$0x3FB0]  }
0x2c: {  	s7 =	sld [smem:$0x3FB1]  }
0x2d: {  	s3 =	simm.s32 $0x108;
	s8 =	sld [smem:$0x3FB2]  }
0x2e: {  	s3 =	simm.s32 @!p0 $0x1082;
	s9 =	sld [smem:$0x3FB3]  }
0x2f: {  	lr =	sadd.s32 s0, s3;
	s0 =	sld [smem:$0x3FAA]  }
0x30: {  	s3 =	sld [smem:$0x3FAD]  }
0x31: {  	[smem:$0x3FB6] =	sst s10  }
0x32: {  	s10 =	sld [smem:$0x3FB4];
	_ =	sdelay $0x3  }
0x33: {  	p0 =	seq.s32 s10, $0x1;
	s10 =	sld [smem:$0x3FB6];
	_ =	sdelay $0x3  }
0x34: {  	[smem:$0x3FB6] =	sst s10  }
0x35: {  	s10 =	sld [smem:$0x3FB5];
	_ =	sdelay $0x3  }
0x36: {  	p1 =	seq.s32 s10, $0x1;
	s10 =	sld [smem:$0x3FB6];
	_ =	sdelay $0x3  }
0x37: {  	[smem:$0x3FB6] =	sst s10  }
0x38: {  	s10 =	sld [smem:$0x3FB7]  }
0x39: {  	_ = 	snop;
	(pc) =	sbr.ind lr, $3  }
0x3a: {  	_ = 	snop  }
0x3b: {  	_ = 	snop  }
0x3c: {  	p2 =	seq.s32 s10, $0x1;
	s10 =	sld [smem:$0x3FB6]  }
0x3d: {  	_ =	shalt  }
0x3e: {  	_ =	shalt  }
0x3f: {  	_ =	shalt  }
0x40: {  	_ =	shalt  }
0x41: {  	_ =	shalt  }
0x42: {  	_ =	shalt  }
0x43: {  	_ =	shalt  }
0x44: {  	_ =	shalt  }
0x45: {  	_ =	shalt  }
0x46: {  	_ =	shalt  }
0x47: {  	_ =	shalt  }
0x48: {  	_ =	shalt  }
0x49: {  	_ =	shalt  }
0x4a: {  	_ =	shalt  }
0x4b: {  	_ =	shalt  }
0x4c: {  	_ =	shalt  }
0x4d: {  	_ =	shalt  }
0x4e: {  	_ =	shalt  }
0x4f: {  	_ =	shalt  }
0x50: {  	_ =	shalt  }
0x51: {  	_ =	shalt  }
0x52: {  	_ =	shalt  }
0x53: {  	_ =	shalt  }
0x54: {  	_ =	shalt  }
0x55: {  	_ =	shalt  }
0x56: {  	_ =	shalt  }
0x57: {  	_ =	shalt  }
0x58: {  	_ =	shalt  }
0x59: {  	_ =	shalt  }
0x5a: {  	_ =	shalt  }
0x5b: {  	_ =	shalt  }
0x5c: {  	_ =	shalt  }
0x5d: {  	_ =	shalt  }
0x5e: {  	_ =	shalt  }
0x5f: {  	_ =	shalt  }
0x60: {  	_ =	shalt  }
0x61: {  	_ =	shalt  }
0x62: {  	_ =	shalt  }
0x63: {  	_ =	shalt  }
0x64: {  	_ =	shalt  }
0x65: {  	_ =	shalt  }
0x66: {  	_ =	shalt  }
0x67: {  	_ =	shalt  }
0x68: {  	_ =	shalt  }
0x69: {  	_ =	shalt  }
0x6a: {  	_ =	shalt  }
0x6b: {  	_ =	shalt  }
0x6c: {  	_ =	shalt  }
0x6d: {  	_ =	shalt  }
0x6e: {  	_ =	shalt  }
0x6f: {  	_ =	shalt  }
0x70: {  	_ =	shalt  }
0x71: {  	_ =	shalt  }
0x72: {  	_ =	shalt  }
0x73: {  	_ =	shalt  }
0x74: {  	_ =	shalt  }
0x75: {  	_ =	shalt  }
0x76: {  	_ =	shalt  }
0x77: {  	_ =	shalt  }
0x78: {  	_ =	shalt  }
0x79: {  	_ =	shalt  }
0x7a: {  	_ =	shalt  }
0x7b: {  	_ =	shalt  }
0x7c: {  	_ =	shalt  }
0x7d: {  	_ =	shalt  }
0x7e: {  	_ =	shalt  }
0x7f: {  	_ =	shalt  }
0x80: {  	_ =	shalt  }
0x81: {  	_ =	shalt  }
0x82: {  	_ =	shalt  }
0x83: {  	_ =	shalt  }
0x84: {  	_ =	shalt  }
0x85: {  	_ =	shalt  }
0x86: {  	_ =	shalt  }
0x87: {  	_ =	shalt  }
.Lfunc_end0:
.L_simem_size_0:
called_computation_lowered:
.L_overlay_start_0:
0x88: {  	s2 =	sld [smem:$0x3FD9]  }
0x89: {  	s3 =	sld [smem:$0x3FFE];
	_ =	sdelay $0x1  }
0x8a: {  	s1 =	srdreg.scid  }
0x8b: {  	s0 =	sand.u32 $0x1, s1  }
0x8c: {  	s16 =	sshll.u32 s0, $0xA;
	s2 =	sadd.s32 s3, s2  }
0x8d: {  	s2 =	sadd.s32 s2, s16  }
0x8e: {  	[smem:$0x3FC2] =	sst s2  }
0x8f: {  	_ = 	snop  }
0x90: {  	(tm) =	ssettm $0x1  }
0x91: {  	s17 =	sld [smem:$0x3FFB];
	_ =	sdelay $0x3  }
0x92: {  	_ =	strace s17  }
0x93: {  	s2 =	sld [smem:$0x3FFC];
	_ =	sdelay $0x3  }
0x94: {  	_ =	strace s2  }
0x95: {  	s2 =	sld [smem:$0x3FFD];
	_ =	sdelay $0x3  }
0x96: {  	_ =	strace s2  }
0x97: {  	_ =	strace $0x8FFFFFFF  }
0x98: {  	s18 =	sld [smem:$0x3FDB];
	_ =	sdelay $0x1  }
0x99: {  	s19 =	simm.s32 $_scs_section_size  }
0x9a: {  	s4 =	simm.s32 $_size__tile_overlayer_lowered;
	s5 =	simm.s32 $_tile_overlayer_lowered  }
0x9b: {  	s22 =	simm.s32 $0x1BFF;
	s21 =	sshll.u32 s5, $0x1;
	s2 =	sadd.s32 s19, s18  }
0x9c: {  	s6 =	simm.s32 $0x0;
	s20 =	sshll.u32 s4, $0x1;
	s4 =	sadd.s32 s21, s2  }
0x9d: {  	[timem:s6], [sflag:s22] =	dma.local [hbm:s4], s20  }
0x9e: {  	_ =	swait.ge [sflag:s22], s20  }
0x9f: {  	s3 =	ssub.s32 $0x0, s20;
	[sflag:s22] =	ssyncset.done $0x0  }
0xa0: {  	[sflag:s22] =	ssyncadd.s32 s3;
	_ =	sdelay $0x1  }
0xa1: {  	s23 =	simm.s32 $0x1B8B  }
0xa2: {  	_ =	swait.ge [sflag:s23], $0x1  }
0xa3: {  	[sflag:s23] =	ssyncset.done $0x0  }
0xa4: {  	s25 =	simm.s32 $0x1B8E;
	s24 =	sld [smem:$0x3FFE];
	[sflag:s23] =	ssyncadd.s32 $0xFFFFFFFF  }
0xa5: {  	s26 =	simm.s32 $execute0_lowered;
	[smem:$0x3FD2] =	sst s25  }
0xa6: {  	s4 =	sshll.u32 s26, $0x1;
	_ =	strace $0x80000046;
	[dreg:$0x1] =	wrdreg $0xFFFFFFFF  }
0xa7: {  	s28 =	simm.s32 $_size_execute0_lowered;
	s2 =	sadd.s32 s2, s4;
	[dreg:$0x0] =	wrdreg $0x0  }
0xa8: {  	s4 =	sshll.u32 s28, $0x1;
	[dreg:$0x2] =	wrdreg s2  }
0xa9: {  	[dreg:$0x3] =	wrdreg s4  }
0xaa: {  	[dreg:$0x4] =	wrdreg $0xC0  }
0xab: {  	_ =	task [dreg:s6], $0x5FFFF  }
0xac: {  	[dreg:$0x1] =	wrdreg $0xFFFFFFFF  }
0xad: {  	[dreg:$0x0] =	wrdreg $0x60  }
0xae: {  	[dreg:$0x2] =	wrdreg s24  }
0xaf: {  	[dreg:$0x3] =	wrdreg $0x28800  }
0xb0: {  	[dreg:$0x4] =	wrdreg $0x9  }
0xb1: {  	_ =	task.clear_ibuf [dreg:s6], $0x5FFFF;
	_ =	strace $0x90000046  }
0xb2: {  	s29 =	simm.s32 $0x9;
	_ =	strace $0x80000048  }
0xb3: {  	_ =	swait.ge [sflag:s29], $0x1  }
0xb4: {  	[sflag:s29] =	ssyncadd.s32 $0xFFFFFFFF  }
0xb5: {  	_ =	strace $0x90000048  }
0xb6: {  	_ =	sfence  }
0xb7: {  	s30 =	sld [smem:$0x0];
	_ =	sdelay $0x2  }
0xb8: {  	s31 =	sshll.u32 s1, $0xD;
	s1 =	sshrl.u32 s1, $0x2  }
0xb9: {  	s3 =	sand.u32 $0x4000, s31;
	s1 =	sadd.s32 s1, s30  }
0xba: {  	s0 =	sor.u32 s3, s0;
	s1 =	sshll.u32 s1, $0x11  }
0xbb: {  	s0 =	sor.u32 s1, s0  }
0xbc: {  	s0 =	sadd.s32 $0x8F2B, s0  }
0xbd: {  	[sflag:s0] =	ssyncadd.remote.s32 $0x1  }
0xbe: {  	_ =	sfence.sel $0xFFFF  }
0xbf: {  	[dreg:$0x0] =	wrdreg $0xFFFFFFFF;
	(pc) =	sbr.abs _section_cstart, $3  }
0xc0: {  	[dreg:$0x1] =	wrdreg $0xFFFFFFFF  }
0xc1: {  	_ =	task.clear_ibuf [dreg:s6], $0x2FFFF;
	_ =	strace $0x9FFFFFFF  }
0xc2: {  	(tm) =	ssettm $0x7FFFFFFF  }
0xc3: {  	_ =	shalt  }
tec
execute0_lowered:
.L_overlay_start_1:
0x0: {  	(tag) =	ssettag $0x1  }
0x1: {  	s0 =	srdreg.scid;
	s5 =	rddreg [dreg:$0x0]  }
0x2: {  	s2 =	rddreg [dreg:$0x1];
	s3 =	simm.s32 $0x0;
	s12 =	simm.s32 $0x2800  }
0x3: {  	s13 =	simm.s32 $0x0;
	s4 =	sand.u32 $0x1, s0;
	s0 =	stileid.u32  }
0x4: {  	[smem:$0x7FF] =	sst s3;
	s1 =	sshll.u32 s4, $0x4;
	s7 =	smul.u32 $0x280, s0  }
0x5: {  	s8 =	smul.u32 $0x2800, s4;
	s4 =	ssub.s32 $0x2, s4;
	s1 =	sor.u32 s0, s1  }
0x6: {  	s31 =	sshll.u32 s0, $0x6;
	s10 =	sshrl.u32 s4, $0x1;
	s6 =	smul.u32 $0x500, s1  }
0x7: {  	s1 =	rddreg [dreg:$0x2];
	_ =	strace $0x80000047;
	s8 =	sadd.s32 s7, s8  }
0x8: {  	s9 =	sshrl.u32 s7, $0x3;
	s10 =	ssub.s32 s4, s10;
	s11 =	sadd.s32 s7, s2  }
0x9: {  	s8 =	sshrl.u32 s8, $0x3;
	s9 =	sadd.s32 s9, s5;
	s7 =	smax.u32 s10, $0x1  }
0xa: {  	s10 =	sshrl.u32 s11, $0x3;
	s11 =	simm.s32 $0x80;
	s6 =	sadd.s32 s6, s5  }
0xb: {  	s8 =	sadd.s32 s8, s5;
	s5 =	sadd.s32 $0x15200, s9;
	s9 =	sor.u32 $0x1C01, s31  }
0xc: {  	v0 =	vimm.f32 $1.000000000e+00;
	s4 =	sadd.s32 $0xB200, s6;
	s6 =	sadd.s32 $0x15800, s8;
	s8 =	simm.s32 $0x1  }
.LBB2_1:
0xd: {  	[tilespmem:$0x2800] =	vst v0  }
0xe: {  	[tilespmem:$0x2810] =	vst v0  }
0xf: {  	[tilespmem:$0x2820] =	vst v0  }
0x10: {  	[tilespmem:$0x2830] =	vst v0  }
0x11: {  	[tilespmem:$0x2840] =	vst v0  }
0x12: {  	[tilespmem:$0x2850] =	vst v0  }
0x13: {  	[tilespmem:$0x2860] =	vst v0  }
0x14: {  	[tilespmem:$0x2870] =	vst v0  }
0x15: {  	[tilespmem:s3], [sflag:$0x1] =	stream.linear.gather [hbm4b:s4+s3], $0x2800, $0x38;
	[tilespmem:$0x2B00] =	vst v63  }
0x16: {  	_ =	swait.ge [sflag:s8], $0x2800  }
0x17: {  	[sflag:s8] =	ssyncset.done $0x0  }
0x18: {  	[sflag:s8] =	ssyncadd.s32 $0xFFFFD800  }
0x19: {  	[spmem:s10], [sflag:s9] =	dma.local [hbm:s5], $0x50  }
0x1a: {  	_ =	swait.ge [sflag:s8], $0x50  }
0x1b: {  	[sflag:s8] =	ssyncset.done $0x0  }
0x1c: {  	[sflag:s8] =	ssyncadd.s32 $0xFFFFFFB0  }
0x1d: {  	s14 =	simm.s32 $0x0;
	[bflag:$0x0] =	sbarrier.arrive $0xFFFF  }
0x1e: {  	[spmem:s2] =	stream.indirect.scatter.add.f32 [tilespmem:s12], [sflag:$0x1], $0x1, s14, s11, $0xb8;
	[tilespmem:$0x2B00] =	vst v63  }
0x1f: {  	_ =	swait.ge [sflag:s8], $0x80  }
0x20: {  	s14 =	simm.s32 $0x200;
	[sflag:s8] =	ssyncset.done $0x0  }
.LBB2_2:
0x21: {  	s15 =	sshra.s32 s14, $0x2;
	[sflag:s8] =	ssyncadd.s32 $0xFFFFFF80;
	p0 =	sne.s32 s14, $0x9E00  }
0x22: {  	[spmem:s2] =	stream.indirect.scatter.add.f32 [tilespmem:s12], [sflag:$0x1], $0x1, s15, s11, $0xb8;
	[tilespmem:$0x2B00] =	vst v63  }
.Ltmp0:
0x23: {  	_ = 	snop;
	(pc) =	sbr.rel @p0 .LBB2_2-.Ltmp0, $4  }
0x24: {  	_ = 	snop  }
0x25: {  	s14 =	sadd.s32 $0x200, s14  }
0x26: {  	_ =	swait.ge [sflag:s8], $0x80  }
0x27: {  	[sflag:s8] =	ssyncset.done $0x0  }
0x28: {  	s13 =	sadd.s32 $0x1, s13  }
0x29: {  	[sflag:s8] =	ssyncadd.s32 $0xFFFFFF80;
	p0 =	sne.s32 s13, s7  }
.Ltmp1:
0x2a: {  	[bflag:$0x0] =	sbarrier.arrive $0xFFFF;
	(pc) =	sbr.rel @p0 .LBB2_1-.Ltmp1, $4  }
0x2b: {  	[hbm:s6], [sflag:s9] =	dma.local [spmem:s10], $0x50  }
0x2c: {  	_ =	swait.ge [sflag:s8], $0x50  }
0x2d: {  	[sflag:s8] =	ssyncset.done $0x0  }
0x2e: {  	[sflag:s8] =	ssyncadd.s32 $0xFFFFFFB0  }
0x2f: {  	_ =	sfence.sel $0x180000  }
0x30: {  	[bflag:$0x0] =	sbarrier.arrive $0xFFFF  }
0x31: {  	p0 =	sne.s32 s0, $0x0;
	_ =	strace $0x90000047  }
0x32: {  	s0 =	sadd.s32 @!p0 $0x100000, s1;
	[bflag:$0x2] =	sbarrier.arrive $0xFFFF  }
0x33: {  	[sflag:s0] =	ssyncadd.tile.s32 @!p0 $0x1;
	_ =	shalt  }
.Lfunc_end2:
_tile_overlayer_lowered:
.L_overlay_start_2:
0x34: {  	(tag) =	ssettag $0x2  }
0x35: {  	s0 =	rddreg [dreg:$0x0];
	s2 =	stileid.u32  }
0x36: {  	s1 =	rddreg [dreg:$0x1];
	p0 =	sne.s32 s2, $0x0  }
0x37: {  	s3 =	rddreg [dreg:$0x2];
	[bflag:$0x3] =	sbarrier.arrive $0xFFFF;
	s2 =	simm.s32 @!p0 $0x1C01  }
0x38: {  	[timem:s3], [sflag:s2] =	dma.local @!p0 [hbm:s0], s1  }
0x39: {  	s0 =	simm.s32 @!p0 $0x1  }
0x3a: {  	_ =	swait.ge @!p0 [sflag:s0], s1  }
0x3b: {  	s1 =	ssub.s32 @!p0 $0x0, s1;
	[sflag:s0] =	ssyncset.done @!p0 $0x0  }
0x3c: {  	[sflag:s0] =	ssyncadd.s32 @!p0 s1  }
0x3d: {  	[bflag:$0x3] =	sbarrier.arrive $0xFFFF  }
0x3e: {  	_ =	shalt  }

</sc_bundles>
